<compile_context>
chip_gen: v7x
topology: tpu7x:2x2x1
jax: 0.10.2.dev20260603
libtpu: 0.0.44.dev20260713+nightly
codegen_flags: <defaults>
</compile_context>

<pallas_src>
import functools

import jax
import jax.numpy as jnp
from jax import lax
from jax.experimental import pallas as pl
from jax.experimental.pallas import tpu as pltpu
from jax.experimental.pallas import tpu_sc as plsc

EPS = 1e-5
BN_SCALE = 1.0 / (1.0 + EPS) ** 0.5

B, N, M, K = 16, 2048, 128, 64
RADIUS2 = 0.33 ** 2

_F32 = jnp.float32


_BF16 = jnp.bfloat16


def _mm(a, b):
    return lax.dot_general(a.astype(_BF16), b.astype(_BF16),
                           (((a.ndim - 1,), (0,)), ((), ())),
                           preferred_element_type=_F32)


def _mm_t(a, b):
    return lax.dot_general(a.astype(_BF16), b.astype(_BF16),
                           (((a.ndim - 1,), (b.ndim - 1,)), ((), ())),
                           preferred_element_type=_F32)


def _pre_mlp_body(x_ref, w10_ref, w11_ref, w12_ref, p_ref):
    x = x_ref[...]
    h = jnp.maximum(_mm(x, w10_ref[...]) * BN_SCALE, 0.0)
    h = jnp.maximum(_mm(h, w11_ref[...]) * BN_SCALE, 0.0)
    f = jnp.maximum(_mm(h, w12_ref[...]) * BN_SCALE, 0.0)
    u = lax.bitcast_convert_type(f.astype(_BF16), jnp.uint16)
    lo = u[:, :64].astype(jnp.uint32)
    hi = u[:, 64:].astype(jnp.uint32)
    packed = lax.bitcast_convert_type((hi << 16) | lo, jnp.int32)
    xyz_i = lax.bitcast_convert_type(x[:, :3], jnp.int32)
    pad = jnp.zeros((x.shape[0], 61), jnp.int32)
    p_ref[...] = jnp.concatenate([xyz_i, packed, pad], axis=1)


def _pre_mlp(xin, w1_0, w1_1, w1_2):
    rows = B * N
    tile = 4096
    grid = rows // tile
    full = lambda shape: pl.BlockSpec(shape, lambda i: (0,) * len(shape))
    return pl.pallas_call(
        _pre_mlp_body,
        grid=(grid,),
        in_specs=[
            pl.BlockSpec((tile, 6), lambda i: (i, 0)),
            full((6, 64)), full((64, 64)), full((64, 128)),
        ],
        out_specs=pl.BlockSpec((tile, 128), lambda i: (i, 0)),
        out_shape=jax.ShapeDtypeStruct((rows, 128), jnp.int32),
    )(xin, w1_0, w1_1, w1_2)


def _fps_body(xt_ref, out_ref):
    X = xt_ref[0]
    Y = xt_ref[1]
    Z = xt_ref[2]
    iota_n = lax.broadcasted_iota(jnp.int32, (B, N), 1)

    def step(i, carry):
        distance, far = carry
        oh = (iota_n == far).astype(_F32)
        cx = jnp.sum(X * oh, axis=1, keepdims=True)
        cy = jnp.sum(Y * oh, axis=1, keepdims=True)
        cz = jnp.sum(Z * oh, axis=1, keepdims=True)
        out_ref[pl.ds(i, 1)] = jnp.concatenate([cx, cy, cz], axis=1)[None]
        dist = (X - cx) ** 2 + (Y - cy) ** 2 + (Z - cz) ** 2
        distance = jnp.minimum(distance, dist)
        mx = jnp.max(distance, axis=1, keepdims=True)
        far = jnp.min(jnp.where(distance == mx, iota_n, N),
                      axis=1, keepdims=True)
        return distance, far

    init = (jnp.full((B, N), 1e10, dtype=_F32), jnp.zeros((B, 1), jnp.int32))
    lax.fori_loop(0, M, step, init)


def _fps(xyzT):
    return pl.pallas_call(
        _fps_body,
        out_shape=jax.ShapeDtypeStruct((M, B, 3), _F32),
    )(xyzT)


def _ballq_body(nxyz_ref, xyz_ref, out_ref):
    b = pl.program_id(0)
    nx = nxyz_ref[0]
    x = xyz_ref[0]
    cross = lax.dot_general(
        nx.astype(jnp.bfloat16), x.astype(jnp.bfloat16),
        (((1,), (1,)), ((), ())), preferred_element_type=_F32)
    d = (jnp.sum(nx * nx, axis=1, keepdims=True)
         + jnp.sum(x * x, axis=1, keepdims=True).T
         - 2.0 * cross)
    mask = d <= RADIUS2
    c = mask.astype(jnp.int32)
    for sh in (1, 2, 4, 8, 16, 32, 64, 128, 256, 512, 1024):
        c = c + jnp.concatenate(
            [jnp.zeros((M, sh), jnp.int32), c[:, :-sh]], axis=1)
    cnt = c[:, N - 1:N]
    slot = jnp.where(mask & (c <= K), c, 0)
    iota_n = lax.broadcasted_iota(jnp.int32, (M, N), 1)
    cols = []
    for k in range(K):
        v = jnp.sum(jnp.where(slot == k + 1, iota_n, 0),
                    axis=1, keepdims=True)
        cols.append(v)
    first = cols[0]
    ks = lax.broadcasted_iota(jnp.int32, (M, K), 1)
    idx = jnp.concatenate(cols, axis=1)
    idx = jnp.where(ks < cnt, idx, first)
    idx = jnp.where(cnt == 0, N - 1, idx)
    out_ref[0] = idx + b * N


def _ball_query(new_xyz, xyz):
    return pl.pallas_call(
        _ballq_body,
        grid=(B,),
        in_specs=[
            pl.BlockSpec((1, M, 3), lambda b: (b, 0, 0)),
            pl.BlockSpec((1, N, 3), lambda b: (b, 0, 0)),
        ],
        out_specs=pl.BlockSpec((1, M, K), lambda b: (b, 0, 0)),
        out_shape=jax.ShapeDtypeStruct((B, M, K), jnp.int32),
    )(new_xyz, xyz)


_ROWS = B * M * K
_NW = 32
_CHUNKS = 32
_CHUNK = _ROWS // (_NW * _CHUNKS)


def _sc_gather(P2, gidx):
    mesh = plsc.VectorSubcoreMesh(core_axis_name="c", subcore_axis_name="s")

    grp = 4
    ngrp = _CHUNKS // grp

    @functools.partial(
        pl.kernel,
        mesh=mesh,
        out_type=jax.ShapeDtypeStruct((_ROWS, 128), jnp.int32),
        scratch_types=[
            pltpu.VMEM((_CHUNKS, _CHUNK), jnp.int32),
            pltpu.VMEM((grp * _CHUNK, 128), jnp.int32),
            pltpu.SemaphoreType.DMA,
        ],
    )
    def gather_k(p_hbm, idx_hbm, out_hbm, idx_v, rows_v, sem):
        wid = lax.axis_index("s") * 2 + lax.axis_index("c")
        pltpu.sync_copy(idx_hbm.at[wid], idx_v)

        def group(g, _):
            copies = []
            for j in range(grp):
                copies.append(pltpu.async_copy(
                    p_hbm.at[idx_v.at[g * grp + j]],
                    rows_v.at[pl.ds(j * _CHUNK, _CHUNK)], sem))
            for c in copies:
                c.wait()
            base = (wid * ngrp + g) * (grp * _CHUNK)
            pltpu.sync_copy(rows_v, out_hbm.at[pl.ds(base, grp * _CHUNK)])
            return 0

        lax.fori_loop(0, ngrp, group, 0)

    return gather_k(P2, gidx.reshape(_NW, _CHUNKS, _CHUNK))


def _sa2_body(g_ref, nxyz_ref, w20_ref, w21_ref, w22_ref, out_ref):
    tm = g_ref.shape[0]
    g = g_ref[...]
    gxyz = lax.bitcast_convert_type(g[:, :, 0:3], _F32)
    w = lax.bitcast_convert_type(g[:, :, 3:67], jnp.uint32)
    flo = lax.bitcast_convert_type(w << 16, _F32)
    fhi = lax.bitcast_convert_type(w & jnp.uint32(0xFFFF0000), _F32)
    feat = jnp.concatenate([flo, fhi], axis=-1)
    xn = gxyz - nxyz_ref[...][:, None, :]
    x131 = jnp.concatenate(
        [xn.reshape(tm * K, 3), feat.reshape(tm * K, 128)], axis=1)
    x = jnp.maximum(_mm(x131, w20_ref[...]) * BN_SCALE, 0.0)
    x = jnp.maximum(_mm(x, w21_ref[...]) * BN_SCALE, 0.0)
    x = jnp.maximum(_mm(x, w22_ref[...]) * BN_SCALE, 0.0)
    out_ref[...] = jnp.max(x.reshape(tm, K, 256), axis=1)


def _sa2(G, nxyz, w2_0, w2_1, w2_2):
    tm = 128
    grid = (B * M) // tm
    full = lambda shape: pl.BlockSpec(shape, lambda i: (0,) * len(shape))
    return pl.pallas_call(
        _sa2_body,
        grid=(grid,),
        in_specs=[
            pl.BlockSpec((tm, K, 128), lambda i: (i, 0, 0)),
            pl.BlockSpec((tm, 3), lambda i: (i, 0)),
            full((131, 128)), full((128, 128)), full((128, 256)),
        ],
        out_specs=pl.BlockSpec((tm, 256), lambda i: (i, 0)),
        out_shape=jax.ShapeDtypeStruct((B * M, 256), _F32),
    )(G, nxyz, w2_0, w2_1, w2_2)


def _head_body(sa2_ref, nxyz_ref, w30_ref, w31_ref, w32_ref,
               fc1_ref, fc2_ref, predw_ref, out_ref):
    x259 = jnp.concatenate([nxyz_ref[...], sa2_ref[...]], axis=1)
    y = jnp.maximum(_mm(x259, w30_ref[...]) * BN_SCALE, 0.0)
    y = jnp.maximum(_mm(y, w31_ref[...]) * BN_SCALE, 0.0)
    y = jnp.maximum(_mm(y, w32_ref[...]) * BN_SCALE, 0.0)
    net = jnp.max(y.reshape(B, M, 1024), axis=1)
    h = jnp.maximum(_mm_t(net, fc1_ref[...]) * BN_SCALE, 0.0)
    h = jnp.maximum(_mm_t(h, fc2_ref[...]) * BN_SCALE, 0.0)
    hb = h.astype(_BF16).astype(_F32)
    pb = predw_ref[...].astype(_BF16).astype(_F32)
    out_ref[...] = jnp.sum(hb * pb, axis=1, keepdims=True)


def _head(sa2_out, nxyz, w3_0, w3_1, w3_2, fc1_w, fc2_w, pred_w, pred_b):
    o = pl.pallas_call(
        _head_body,
        out_shape=jax.ShapeDtypeStruct((B, 1), _F32),
    )(sa2_out, nxyz, w3_0, w3_1, w3_2, fc1_w, fc2_w, pred_w)
    return o + pred_b


def kernel(xyz, points, w1_0, w1_1, w1_2, w2_0, w2_1, w2_2, w3_0, w3_1, w3_2,
           fc1_w, fc2_w, pred_w, pred_b):
    xin = jnp.concatenate([xyz, points], axis=-1).reshape(B * N, 6)

    P = _pre_mlp(xin, w1_0, w1_1, w1_2)

    xyzT = jnp.transpose(xyz, (2, 0, 1))
    fps_c = _fps(xyzT)
    new_xyz = jnp.transpose(fps_c, (1, 0, 2))

    gidx = _ball_query(new_xyz, xyz)

    G = _sc_gather(P, gidx.reshape(-1))

    nxyz2 = new_xyz.reshape(B * M, 3)
    sa2_out = _sa2(G.reshape(B * M, K, 128), nxyz2, w2_0, w2_1, w2_2)

    return _head(sa2_out, nxyz2, w3_0, w3_1, w3_2,
                 fc1_w, fc2_w, pred_w, pred_b)

# --- scband reference (transcript-rebuilt; emitter-appended) ---
"""Pipeline reference for scband-mul-pointnet2-pred-55121610277167 (READ-ONLY COPY).

The authoritative reference and input builder live on the scoring server;
editing this copy changes nothing except your own understanding.
"""

import jax, jax.numpy as jnp
import numpy as np

EPS = 1e-5
BN_SCALE = 1.0 / np.sqrt(1.0 + EPS)


def square_distance(a, b):
    return (jnp.sum(a ** 2, -1)[:, :, None] + jnp.sum(b ** 2, -1)[:, None, :]
            - 2.0 * jnp.einsum('bmd,bnd->bmn', a, b))


def index_points(points, idx):
    B = points.shape[0]
    batch = jnp.arange(B).reshape((B,) + (1,) * (idx.ndim - 1))
    return points[batch, idx]


def farthest_point_sample(xyz, M):
    xyz = jax.lax.stop_gradient(xyz)
    B, N, _ = xyz.shape
    def step(state, _):
        distance, farthest = state
        centroid = jnp.take_along_axis(xyz, farthest[:, None, None], axis=1)
        dist = jnp.sum((xyz - centroid) ** 2, axis=-1)
        distance = jnp.minimum(distance, dist)
        new_far = jnp.argmax(distance, axis=-1).astype(jnp.int32)
        return (distance, new_far), farthest
    init = (jnp.full((B, N), 1e10, dtype=xyz.dtype), jnp.zeros((B,), jnp.int32))
    _, idxs = jax.lax.scan(step, init, None, length=M)
    return jnp.transpose(idxs)


def ball_query(radius, K, xyz, new_xyz):
    B, N, _ = xyz.shape
    M = new_xyz.shape[1]
    sqrdists = square_distance(new_xyz, jax.lax.stop_gradient(xyz))
    group_idx = jnp.broadcast_to(jnp.arange(N, dtype=jnp.int32), (B, M, N))
    group_idx = jnp.where(sqrdists > radius ** 2, N, group_idx)
    group_idx = jnp.sort(group_idx, axis=-1)[:, :, :K]
    group_first = jnp.broadcast_to(group_idx[:, :, :1], group_idx.shape)
    group_idx = jnp.where(group_idx == N, group_first, group_idx)
    return group_idx


def sample_and_group(xyz, points, M, radius, K):
    fps_idx = farthest_point_sample(xyz, M)
    new_xyz = index_points(xyz, fps_idx)
    idx = ball_query(radius, K, xyz, jax.lax.stop_gradient(new_xyz))
    grouped_xyz = index_points(xyz, idx)
    grouped_xyz_norm = grouped_xyz - new_xyz[:, :, None, :]
    grouped_points = index_points(points, idx)
    new_points = jnp.concatenate([grouped_xyz_norm, grouped_points], axis=-1)
    return new_xyz, new_points


def sample_and_group_all(xyz, points):
    B = xyz.shape[0]
    new_xyz = jnp.zeros((B, 1, 3), dtype=xyz.dtype)
    new_points = jnp.concatenate([xyz, points], axis=-1)[:, None, :, :]
    return new_xyz, new_points


def mlp_bn_relu_4d(x, weights):
    for W in weights:
        x = jnp.maximum(jnp.einsum('bmkc,cd->bmkd', x, W) * BN_SCALE, 0.0)
    return x


def pre_sa_module(xyz, points, weights):
    x = jnp.concatenate([xyz, points], axis=-1)
    for W in weights:
        x = jnp.maximum(jnp.einsum('bnc,cd->bnd', x, W) * BN_SCALE, 0.0)
    return xyz, x


def sa_module(xyz, points, M, radius, K, weights, group_all):
    if group_all:
        new_xyz, new_points = sample_and_group_all(xyz, points)
    else:
        new_xyz, new_points = sample_and_group(xyz, points, M, radius, K)
    new_points = mlp_bn_relu_4d(new_points, weights)
    new_points = jnp.max(new_points, axis=2)
    return new_xyz, new_points


def _he(key, cin, cout):
    return jax.random.normal(key, (cin, cout), dtype=jnp.float32) * np.sqrt(2.0 / cin)


def setup_inputs(seed: int = 0) -> dict:
    key = jax.random.key(seed)
    ks = jax.random.split(key, 20)
    B, N = 16, 2048
    inp = {
        'xyz': jax.random.normal(ks[0], (B, N, 3), dtype=jnp.float32),
        'points': jax.random.normal(ks[1], (B, N, 3), dtype=jnp.float32),
        'w1_0': _he(ks[2], 6, 64), 'w1_1': _he(ks[3], 64, 64), 'w1_2': _he(ks[4], 64, 128),
        'w2_0': _he(ks[5], 131, 128), 'w2_1': _he(ks[6], 128, 128), 'w2_2': _he(ks[7], 128, 256),
        'w3_0': _he(ks[8], 259, 256), 'w3_1': _he(ks[9], 256, 512), 'w3_2': _he(ks[10], 512, 1024),
        'fc1_w': jax.random.normal(ks[11], (512, 1024), dtype=jnp.float32) * np.sqrt(2.0 / 1024),
        'fc2_w': jax.random.normal(ks[12], (256, 512), dtype=jnp.float32) * np.sqrt(2.0 / 512),
        'pred_w': jax.random.normal(ks[13], (1, 256), dtype=jnp.float32) * np.sqrt(1.0 / 256),
        'pred_b': jnp.zeros((1,), dtype=jnp.float32),
    }
    return inp


def reference(xyz, points, w1_0, w1_1, w1_2, w2_0, w2_1, w2_2, w3_0, w3_1, w3_2, fc1_w, fc2_w, pred_w, pred_b):
    new_xyz, new_points = pre_sa_module(xyz, points, [w1_0, w1_1, w1_2])
    new_xyz, new_points = sa_module(new_xyz, new_points, 128, 0.33, 64, [w2_0, w2_1, w2_2], group_all=False)
    new_xyz, new_points = sa_module(new_xyz, new_points, None, None, None, [w3_0, w3_1, w3_2], group_all=True)
    net = new_points.reshape(new_points.shape[0], -1)
    net = jnp.maximum((net @ fc1_w.T) * BN_SCALE, 0.0)
    net = jnp.maximum((net @ fc2_w.T) * BN_SCALE, 0.0)
    net = net @ pred_w.T + pred_b
    return net

if __name__ == "__main__":
    import jax
    _d = setup_inputs()
    print(jax.jit(kernel)(*tuple(_d.values())))

</pallas_src>

<mosaic_0001>
#map = affine_map<(d0, d1) -> (0, 0)>
#map1 = affine_map<(d0, d1) -> (0, 0, 0)>
module attributes {stable_mosaic.version = 14 : i64} {
  func.func @gather_k(%arg0: i32, %arg1: i32, %arg2: memref<32768x128xi32, #tpu.memory_space<hbm>>, %arg3: memref<32x32x128xi32, #tpu.memory_space<hbm>>, %arg4: memref<131072x128xi32, #tpu.memory_space<hbm>>, %arg5: memref<32x128xi32, #tpu.memory_space<vmem>>, %arg6: memref<512x128xi32, #tpu.memory_space<vmem>>, %arg7: memref<!tpu.dma_semaphore, #tpu.memory_space<semaphore_mem>>) attributes {dimension_semantics = [#tpu.dimension_semantics<core_parallel>, #tpu.dimension_semantics<subcore_parallel>], iteration_bounds = array<i64: 2, 16>, scalar_prefetch = 0 : i64, scratch_operands = 3 : i64, tpu.core_type = #tpu.core_type<sc_vector_subcore>, window_params = [{transform_indices = #map}, {transform_indices = #map1}, {transform_indices = #map}]} {
    %mul3A = arith.constant 2 : i32
    %mul3A_0 = arith.muli %arg1, %mul3A : i32
    %add3A = arith.addi %mul3A_0, %arg0 : i32
    "tpu.region"() ({
      %run_scoped3A = tpu.sem_alloc : memref<!tpu.dma_semaphore, #tpu.memory_space<semaphore_mem>>
      %dma_start3A = arith.constant 0 : i32
      %dma_start3A_7 = arith.constant 0 : i32
      %dma_start3A_8 = tpu.memref_slice %arg3[%add3A, %dma_start3A, %dma_start3A_7] : memref<32x32x128xi32, #tpu.memory_space<hbm>> -> memref<1x32x128xi32, #tpu.memory_space<hbm>>
      %dma_start3A_9 = tpu.memref_squeeze %dma_start3A_8 : memref<1x32x128xi32, #tpu.memory_space<hbm>> -> memref<32x128xi32, #tpu.memory_space<hbm>>
      %dma_start3A_10 = arith.constant 0 : i32
      %dma_start3A_11 = arith.constant 0 : i32
      %dma_start3A_12 = tpu.memref_slice %arg3[%add3A, %dma_start3A_10, %dma_start3A_11] : memref<32x32x128xi32, #tpu.memory_space<hbm>> -> memref<1x32x128xi32, #tpu.memory_space<hbm>>
      %dma_start3A_13 = tpu.memref_squeeze %dma_start3A_12 : memref<1x32x128xi32, #tpu.memory_space<hbm>> -> memref<32x128xi32, #tpu.memory_space<hbm>>
      tpu.enqueue_dma source(%dma_start3A_13 : memref<32x128xi32, #tpu.memory_space<hbm>>) target(%arg5 : memref<32x128xi32, #tpu.memory_space<vmem>>) target_semaphore(%run_scoped3A : memref<!tpu.dma_semaphore, #tpu.memory_space<semaphore_mem>>)
      %dma_wait3A = arith.constant 0 : i32
      %dma_wait3A_14 = arith.constant 0 : i32
      %dma_wait3A_15 = tpu.memref_slice %arg3[%add3A, %dma_wait3A, %dma_wait3A_14] : memref<32x32x128xi32, #tpu.memory_space<hbm>> -> memref<1x32x128xi32, #tpu.memory_space<hbm>>
      %dma_wait3A_16 = tpu.memref_squeeze %dma_wait3A_15 : memref<1x32x128xi32, #tpu.memory_space<hbm>> -> memref<32x128xi32, #tpu.memory_space<hbm>>
      %dma_wait3A_17 = arith.constant 0 : i32
      %dma_wait3A_18 = arith.constant 0 : i32
      %dma_wait3A_19 = tpu.memref_slice %arg3[%add3A, %dma_wait3A_17, %dma_wait3A_18] : memref<32x32x128xi32, #tpu.memory_space<hbm>> -> memref<1x32x128xi32, #tpu.memory_space<hbm>>
      %dma_wait3A_20 = tpu.memref_squeeze %dma_wait3A_19 : memref<1x32x128xi32, #tpu.memory_space<hbm>> -> memref<32x128xi32, #tpu.memory_space<hbm>>
      tpu.wait_dma2 semaphore(%run_scoped3A : memref<!tpu.dma_semaphore, #tpu.memory_space<semaphore_mem>>) src(%dma_wait3A_20 : memref<32x128xi32, #tpu.memory_space<hbm>>) dst(%arg5 : memref<32x128xi32, #tpu.memory_space<vmem>>)
      tpu.yield
    }) : () -> ()
    %scan3A = arith.constant 0 : i32
    %scan3A_1 = arith.constant 0 : i32
    %scan3A_2 = arith.constant 8 : i32
    %scan3A_3 = arith.addi %scan3A_1, %scan3A_2 : i32
    %scan3A_4 = arith.constant 1 : i32
    %scan3A_5 = scf.for %scan3A_7 = %scan3A_1 to %scan3A_3 step %scan3A_4 iter_args(%scan3A_8 = %scan3A) -> (i32)  : i32 {
      %mul3A_9 = arith.constant 4 : i32
      %mul3A_10 = arith.muli %scan3A_7, %mul3A_9 : i32
      %add3A_11 = arith.constant 0 : i32
      %add3A_12 = arith.addi %mul3A_10, %add3A_11 : i32
      %dma_start3A = arith.constant 0 : i32
      %dma_start3A_13 = arith.constant 0 : i32
      %dma_start3A_14 = tpu.memref_slice %arg6[%dma_start3A, %dma_start3A_13] : memref<512x128xi32, #tpu.memory_space<vmem>> -> memref<128x128xi32, #tpu.memory_space<vmem>>
      %dma_start3A_15 = arith.constant 0 : i32
      %dma_start3A_16 = tpu.memref_slice %arg5[%add3A_12, %dma_start3A_15] : memref<32x128xi32, #tpu.memory_space<vmem>> -> memref<1x128xi32, #tpu.memory_space<vmem>>
      %dma_start3A_17 = tpu.memref_squeeze %dma_start3A_16 : memref<1x128xi32, #tpu.memory_space<vmem>> -> memref<128xi32, #tpu.memory_space<vmem>>
      %dma_start3A_18 = arith.constant 0 : i32
      %dma_start3A_19 = arith.constant 0 : i32
      %dma_start3A_20 = tpu.memref_slice %arg2[%dma_start3A_18, %dma_start3A_19] : memref<32768x128xi32, #tpu.memory_space<hbm>> -> memref<32768x128xi32, #tpu.memory_space<hbm>>
      tpu.enqueue_indirect_dma source(%dma_start3A_20 : memref<32768x128xi32, #tpu.memory_space<hbm>>) target(%dma_start3A_14 : memref<128x128xi32, #tpu.memory_space<vmem>>) offsets(%dma_start3A_17 : memref<128xi32, #tpu.memory_space<vmem>>) semaphore(%arg7 : memref<!tpu.dma_semaphore, #tpu.memory_space<semaphore_mem>>)
      %mul3A_21 = arith.constant 4 : i32
      %mul3A_22 = arith.muli %scan3A_7, %mul3A_21 : i32
      %add3A_23 = arith.constant 1 : i32
      %add3A_24 = arith.addi %mul3A_22, %add3A_23 : i32
      %dma_start3A_25 = arith.constant 128 : i32
      %dma_start3A_26 = arith.constant 0 : i32
      %dma_start3A_27 = tpu.memref_slice %arg6[%dma_start3A_25, %dma_start3A_26] : memref<512x128xi32, #tpu.memory_space<vmem>> -> memref<128x128xi32, #tpu.memory_space<vmem>>
      %dma_start3A_28 = arith.constant 0 : i32
      %dma_start3A_29 = tpu.memref_slice %arg5[%add3A_24, %dma_start3A_28] : memref<32x128xi32, #tpu.memory_space<vmem>> -> memref<1x128xi32, #tpu.memory_space<vmem>>
      %dma_start3A_30 = tpu.memref_squeeze %dma_start3A_29 : memref<1x128xi32, #tpu.memory_space<vmem>> -> memref<128xi32, #tpu.memory_space<vmem>>
      %dma_start3A_31 = arith.constant 0 : i32
      %dma_start3A_32 = arith.constant 0 : i32
      %dma_start3A_33 = tpu.memref_slice %arg2[%dma_start3A_31, %dma_start3A_32] : memref<32768x128xi32, #tpu.memory_space<hbm>> -> memref<32768x128xi32, #tpu.memory_space<hbm>>
      tpu.enqueue_indirect_dma source(%dma_start3A_33 : memref<32768x128xi32, #tpu.memory_space<hbm>>) target(%dma_start3A_27 : memref<128x128xi32, #tpu.memory_space<vmem>>) offsets(%dma_start3A_30 : memref<128xi32, #tpu.memory_space<vmem>>) semaphore(%arg7 : memref<!tpu.dma_semaphore, #tpu.memory_space<semaphore_mem>>)
      %mul3A_34 = arith.constant 4 : i32
      %mul3A_35 = arith.muli %scan3A_7, %mul3A_34 : i32
      %add3A_36 = arith.constant 2 : i32
      %add3A_37 = arith.addi %mul3A_35, %add3A_36 : i32
      %dma_start3A_38 = arith.constant 256 : i32
      %dma_start3A_39 = arith.constant 0 : i32
      %dma_start3A_40 = tpu.memref_slice %arg6[%dma_start3A_38, %dma_start3A_39] : memref<512x128xi32, #tpu.memory_space<vmem>> -> memref<128x128xi32, #tpu.memory_space<vmem>>
      %dma_start3A_41 = arith.constant 0 : i32
      %dma_start3A_42 = tpu.memref_slice %arg5[%add3A_37, %dma_start3A_41] : memref<32x128xi32, #tpu.memory_space<vmem>> -> memref<1x128xi32, #tpu.memory_space<vmem>>
      %dma_start3A_43 = tpu.memref_squeeze %dma_start3A_42 : memref<1x128xi32, #tpu.memory_space<vmem>> -> memref<128xi32, #tpu.memory_space<vmem>>
      %dma_start3A_44 = arith.constant 0 : i32
      %dma_start3A_45 = arith.constant 0 : i32
      %dma_start3A_46 = tpu.memref_slice %arg2[%dma_start3A_44, %dma_start3A_45] : memref<32768x128xi32, #tpu.memory_space<hbm>> -> memref<32768x128xi32, #tpu.memory_space<hbm>>
      tpu.enqueue_indirect_dma source(%dma_start3A_46 : memref<32768x128xi32, #tpu.memory_space<hbm>>) target(%dma_start3A_40 : memref<128x128xi32, #tpu.memory_space<vmem>>) offsets(%dma_start3A_43 : memref<128xi32, #tpu.memory_space<vmem>>) semaphore(%arg7 : memref<!tpu.dma_semaphore, #tpu.memory_space<semaphore_mem>>)
      %mul3A_47 = arith.constant 4 : i32
      %mul3A_48 = arith.muli %scan3A_7, %mul3A_47 : i32
      %add3A_49 = arith.constant 3 : i32
      %add3A_50 = arith.addi %mul3A_48, %add3A_49 : i32
      %dma_start3A_51 = arith.constant 384 : i32
      %dma_start3A_52 = arith.constant 0 : i32
      %dma_start3A_53 = tpu.memref_slice %arg6[%dma_start3A_51, %dma_start3A_52] : memref<512x128xi32, #tpu.memory_space<vmem>> -> memref<128x128xi32, #tpu.memory_space<vmem>>
      %dma_start3A_54 = arith.constant 0 : i32
      %dma_start3A_55 = tpu.memref_slice %arg5[%add3A_50, %dma_start3A_54] : memref<32x128xi32, #tpu.memory_space<vmem>> -> memref<1x128xi32, #tpu.memory_space<vmem>>
      %dma_start3A_56 = tpu.memref_squeeze %dma_start3A_55 : memref<1x128xi32, #tpu.memory_space<vmem>> -> memref<128xi32, #tpu.memory_space<vmem>>
      %dma_start3A_57 = arith.constant 0 : i32
      %dma_start3A_58 = arith.constant 0 : i32
      %dma_start3A_59 = tpu.memref_slice %arg2[%dma_start3A_57, %dma_start3A_58] : memref<32768x128xi32, #tpu.memory_space<hbm>> -> memref<32768x128xi32, #tpu.memory_space<hbm>>
      tpu.enqueue_indirect_dma source(%dma_start3A_59 : memref<32768x128xi32, #tpu.memory_space<hbm>>) target(%dma_start3A_53 : memref<128x128xi32, #tpu.memory_space<vmem>>) offsets(%dma_start3A_56 : memref<128xi32, #tpu.memory_space<vmem>>) semaphore(%arg7 : memref<!tpu.dma_semaphore, #tpu.memory_space<semaphore_mem>>)
      %dma_wait3A = arith.constant 0 : i32
      %dma_wait3A_60 = arith.constant 0 : i32
      %dma_wait3A_61 = tpu.memref_slice %arg6[%dma_wait3A, %dma_wait3A_60] : memref<512x128xi32, #tpu.memory_space<vmem>> -> memref<128x128xi32, #tpu.memory_space<vmem>>
      %dma_wait3A_62 = arith.constant 0 : i32
      %dma_wait3A_63 = tpu.memref_slice %arg5[%add3A_12, %dma_wait3A_62] : memref<32x128xi32, #tpu.memory_space<vmem>> -> memref<1x128xi32, #tpu.memory_space<vmem>>
      %dma_wait3A_64 = tpu.memref_squeeze %dma_wait3A_63 : memref<1x128xi32, #tpu.memory_space<vmem>> -> memref<128xi32, #tpu.memory_space<vmem>>
      %dma_wait3A_65 = arith.constant 0 : i32
      %dma_wait3A_66 = arith.constant 0 : i32
      %dma_wait3A_67 = tpu.memref_slice %arg2[%dma_wait3A_65, %dma_wait3A_66] : memref<32768x128xi32, #tpu.memory_space<hbm>> -> memref<32768x128xi32, #tpu.memory_space<hbm>>
      tpu.wait_indirect_dma semaphore(%arg7 : memref<!tpu.dma_semaphore, #tpu.memory_space<semaphore_mem>>) src(%dma_wait3A_67 : memref<32768x128xi32, #tpu.memory_space<hbm>>) dst(%dma_wait3A_61 : memref<128x128xi32, #tpu.memory_space<vmem>>)
      %dma_wait3A_68 = arith.constant 128 : i32
      %dma_wait3A_69 = arith.constant 0 : i32
      %dma_wait3A_70 = tpu.memref_slice %arg6[%dma_wait3A_68, %dma_wait3A_69] : memref<512x128xi32, #tpu.memory_space<vmem>> -> memref<128x128xi32, #tpu.memory_space<vmem>>
      %dma_wait3A_71 = arith.constant 0 : i32
      %dma_wait3A_72 = tpu.memref_slice %arg5[%add3A_24, %dma_wait3A_71] : memref<32x128xi32, #tpu.memory_space<vmem>> -> memref<1x128xi32, #tpu.memory_space<vmem>>
      %dma_wait3A_73 = tpu.memref_squeeze %dma_wait3A_72 : memref<1x128xi32, #tpu.memory_space<vmem>> -> memref<128xi32, #tpu.memory_space<vmem>>
      %dma_wait3A_74 = arith.constant 0 : i32
      %dma_wait3A_75 = arith.constant 0 : i32
      %dma_wait3A_76 = tpu.memref_slice %arg2[%dma_wait3A_74, %dma_wait3A_75] : memref<32768x128xi32, #tpu.memory_space<hbm>> -> memref<32768x128xi32, #tpu.memory_space<hbm>>
      tpu.wait_indirect_dma semaphore(%arg7 : memref<!tpu.dma_semaphore, #tpu.memory_space<semaphore_mem>>) src(%dma_wait3A_76 : memref<32768x128xi32, #tpu.memory_space<hbm>>) dst(%dma_wait3A_70 : memref<128x128xi32, #tpu.memory_space<vmem>>)
      %dma_wait3A_77 = arith.constant 256 : i32
      %dma_wait3A_78 = arith.constant 0 : i32
      %dma_wait3A_79 = tpu.memref_slice %arg6[%dma_wait3A_77, %dma_wait3A_78] : memref<512x128xi32, #tpu.memory_space<vmem>> -> memref<128x128xi32, #tpu.memory_space<vmem>>
      %dma_wait3A_80 = arith.constant 0 : i32
      %dma_wait3A_81 = tpu.memref_slice %arg5[%add3A_37, %dma_wait3A_80] : memref<32x128xi32, #tpu.memory_space<vmem>> -> memref<1x128xi32, #tpu.memory_space<vmem>>
      %dma_wait3A_82 = tpu.memref_squeeze %dma_wait3A_81 : memref<1x128xi32, #tpu.memory_space<vmem>> -> memref<128xi32, #tpu.memory_space<vmem>>
      %dma_wait3A_83 = arith.constant 0 : i32
      %dma_wait3A_84 = arith.constant 0 : i32
      %dma_wait3A_85 = tpu.memref_slice %arg2[%dma_wait3A_83, %dma_wait3A_84] : memref<32768x128xi32, #tpu.memory_space<hbm>> -> memref<32768x128xi32, #tpu.memory_space<hbm>>
      tpu.wait_indirect_dma semaphore(%arg7 : memref<!tpu.dma_semaphore, #tpu.memory_space<semaphore_mem>>) src(%dma_wait3A_85 : memref<32768x128xi32, #tpu.memory_space<hbm>>) dst(%dma_wait3A_79 : memref<128x128xi32, #tpu.memory_space<vmem>>)
      %dma_wait3A_86 = arith.constant 384 : i32
      %dma_wait3A_87 = arith.constant 0 : i32
      %dma_wait3A_88 = tpu.memref_slice %arg6[%dma_wait3A_86, %dma_wait3A_87] : memref<512x128xi32, #tpu.memory_space<vmem>> -> memref<128x128xi32, #tpu.memory_space<vmem>>
      %dma_wait3A_89 = arith.constant 0 : i32
      %dma_wait3A_90 = tpu.memref_slice %arg5[%add3A_50, %dma_wait3A_89] : memref<32x128xi32, #tpu.memory_space<vmem>> -> memref<1x128xi32, #tpu.memory_space<vmem>>
      %dma_wait3A_91 = tpu.memref_squeeze %dma_wait3A_90 : memref<1x128xi32, #tpu.memory_space<vmem>> -> memref<128xi32, #tpu.memory_space<vmem>>
      %dma_wait3A_92 = arith.constant 0 : i32
      %dma_wait3A_93 = arith.constant 0 : i32
      %dma_wait3A_94 = tpu.memref_slice %arg2[%dma_wait3A_92, %dma_wait3A_93] : memref<32768x128xi32, #tpu.memory_space<hbm>> -> memref<32768x128xi32, #tpu.memory_space<hbm>>
      tpu.wait_indirect_dma semaphore(%arg7 : memref<!tpu.dma_semaphore, #tpu.memory_space<semaphore_mem>>) src(%dma_wait3A_94 : memref<32768x128xi32, #tpu.memory_space<hbm>>) dst(%dma_wait3A_88 : memref<128x128xi32, #tpu.memory_space<vmem>>)
      %mul3A_95 = arith.constant 8 : i32
      %mul3A_96 = arith.muli %add3A, %mul3A_95 : i32
      %add3A_97 = arith.addi %mul3A_96, %scan3A_7 : i32
      %mul3A_98 = arith.constant 512 : i32
      %mul3A_99 = arith.muli %add3A_97, %mul3A_98 : i32
      "tpu.region"() ({
        %run_scoped3A = tpu.sem_alloc : memref<!tpu.dma_semaphore, #tpu.memory_space<semaphore_mem>>
        %dma_start3A_101 = arith.constant 0 : i32
        %dma_start3A_102 = tpu.memref_slice %arg4[%mul3A_99, %dma_start3A_101] : memref<131072x128xi32, #tpu.memory_space<hbm>> -> memref<512x128xi32, #tpu.memory_space<hbm>>
        %dma_start3A_103 = arith.constant 0 : i32
        %dma_start3A_104 = tpu.memref_slice %arg4[%mul3A_99, %dma_start3A_103] : memref<131072x128xi32, #tpu.memory_space<hbm>> -> memref<512x128xi32, #tpu.memory_space<hbm>>
        tpu.enqueue_dma source(%arg6 : memref<512x128xi32, #tpu.memory_space<vmem>>) target(%dma_start3A_104 : memref<512x128xi32, #tpu.memory_space<hbm>>) target_semaphore(%run_scoped3A : memref<!tpu.dma_semaphore, #tpu.memory_space<semaphore_mem>>)
        %dma_wait3A_105 = arith.constant 0 : i32
        %dma_wait3A_106 = tpu.memref_slice %arg4[%mul3A_99, %dma_wait3A_105] : memref<131072x128xi32, #tpu.memory_space<hbm>> -> memref<512x128xi32, #tpu.memory_space<hbm>>
        %dma_wait3A_107 = arith.constant 0 : i32
        %dma_wait3A_108 = tpu.memref_slice %arg4[%mul3A_99, %dma_wait3A_107] : memref<131072x128xi32, #tpu.memory_space<hbm>> -> memref<512x128xi32, #tpu.memory_space<hbm>>
        tpu.wait_dma2 semaphore(%run_scoped3A : memref<!tpu.dma_semaphore, #tpu.memory_space<semaphore_mem>>) src(%arg6 : memref<512x128xi32, #tpu.memory_space<vmem>>) dst(%dma_wait3A_108 : memref<512x128xi32, #tpu.memory_space<hbm>>)
        tpu.yield
      }) : () -> ()
      %scan3A_100 = arith.constant 0 : i32
      scf.yield %scan3A_100 : i32
    }
    %scan3A_6 = arith.constant 8 : i32
    return
  }
}

module attributes {stable_mosaic.version = 14 : i64} {
  func.func @_fps_body(%arg0: memref<3x16x2048xf32, #tpu.memory_space<vmem>>, %arg1: memref<128x16x3xf32, #tpu.memory_space<vmem>>) attributes {dimension_semantics = [], scalar_prefetch = 0 : i64, scratch_operands = 0 : i64, tpu.core_type = #tpu.core_type<tc>} {
    %get3A = arith.constant 0 : index
    %get3A_0 = arith.constant 0 : index
    %get3A_1 = arith.constant 0 : index
    %get3A_2 = vector.load %arg0[%get3A, %get3A_0, %get3A_1] : memref<3x16x2048xf32, #tpu.memory_space<vmem>>, vector<1x16x2048xf32>
    %get3A_3 = vector.shape_cast %get3A_2 : vector<1x16x2048xf32> to vector<16x2048xf32>
    %get3A_4 = arith.constant 1 : index
    %get3A_5 = arith.constant 0 : index
    %get3A_6 = arith.constant 0 : index
    %get3A_7 = vector.load %arg0[%get3A_4, %get3A_5, %get3A_6] : memref<3x16x2048xf32, #tpu.memory_space<vmem>>, vector<1x16x2048xf32>
    %get3A_8 = vector.shape_cast %get3A_7 : vector<1x16x2048xf32> to vector<16x2048xf32>
    %get3A_9 = arith.constant 2 : index
    %get3A_10 = arith.constant 0 : index
    %get3A_11 = arith.constant 0 : index
    %get3A_12 = vector.load %arg0[%get3A_9, %get3A_10, %get3A_11] : memref<3x16x2048xf32, #tpu.memory_space<vmem>>, vector<1x16x2048xf32>
    %get3A_13 = vector.shape_cast %get3A_12 : vector<1x16x2048xf32> to vector<16x2048xf32>
    %iota3A = tpu.iota {dimensions = array<i32: 1>} : vector<16x2048xi32>
    %broadcast_in_dim3A = arith.constant 1.000000e+10 : f32
    %broadcast_in_dim3A_14 = vector.broadcast %broadcast_in_dim3A : f32 to vector<16x2048xf32>
    %broadcast_in_dim3A_15 = arith.constant 0 : i32
    %broadcast_in_dim3A_16 = vector.broadcast %broadcast_in_dim3A_15 : i32 to vector<16x1xi32>
    %scan3A = arith.constant 0 : i32
    %scan3A_17 = arith.constant 128 : i32
    %scan3A_18 = arith.addi %scan3A, %scan3A_17 : i32
    %scan3A_19 = arith.constant 1 : i32
    %scan3A_20:2 = scf.for %scan3A_22 = %scan3A to %scan3A_18 step %scan3A_19 iter_args(%scan3A_23 = %broadcast_in_dim3A_14, %scan3A_24 = %broadcast_in_dim3A_16) -> (vector<16x2048xf32>, vector<16x1xi32>)  : i32 {
      %eq3A = vector.broadcast %scan3A_24 : vector<16x1xi32> to vector<16x2048xi32>
      %eq3A_25 = arith.cmpi eq, %iota3A, %eq3A : vector<16x2048xi32>
      %convert_element_type3A = arith.extui %eq3A_25 : vector<16x2048xi1> to vector<16x2048xi32>
      %convert_element_type3A_26 = arith.sitofp %convert_element_type3A : vector<16x2048xi32> to vector<16x2048xf32>
      %mul3A = arith.mulf %get3A_3, %convert_element_type3A_26 : vector<16x2048xf32>
      %reduce_sum3A = arith.constant dense<0.000000e+00> : vector<16xf32>
      %reduce_sum3A_27 = vector.multi_reduction <add>, %mul3A, %reduce_sum3A [1] : vector<16x2048xf32> to vector<16xf32>
      %broadcast_in_dim3A_28 = vector.shape_cast %reduce_sum3A_27 : vector<16xf32> to vector<16x1xf32>
      %mul3A_29 = arith.mulf %get3A_8, %convert_element_type3A_26 : vector<16x2048xf32>
      %reduce_sum3A_30 = arith.constant dense<0.000000e+00> : vector<16xf32>
      %reduce_sum3A_31 = vector.multi_reduction <add>, %mul3A_29, %reduce_sum3A_30 [1] : vector<16x2048xf32> to vector<16xf32>
      %broadcast_in_dim3A_32 = vector.shape_cast %reduce_sum3A_31 : vector<16xf32> to vector<16x1xf32>
      %mul3A_33 = arith.mulf %get3A_13, %convert_element_type3A_26 : vector<16x2048xf32>
      %reduce_sum3A_34 = arith.constant dense<0.000000e+00> : vector<16xf32>
      %reduce_sum3A_35 = vector.multi_reduction <add>, %mul3A_33, %reduce_sum3A_34 [1] : vector<16x2048xf32> to vector<16xf32>
      %broadcast_in_dim3A_36 = vector.shape_cast %reduce_sum3A_35 : vector<16xf32> to vector<16x1xf32>
      %concatenate3A = tpu.concatenate %broadcast_in_dim3A_28, %broadcast_in_dim3A_32, %broadcast_in_dim3A_36 in 1 : vector<16x1xf32>, vector<16x1xf32>, vector<16x1xf32> -> vector<16x3xf32>
      %broadcast_in_dim3A_37 = vector.shape_cast %concatenate3A : vector<16x3xf32> to vector<1x16x3xf32>
      %swap3A = arith.index_cast %scan3A_22 : i32 to index
      %swap3A_38 = arith.constant 0 : index
      %swap3A_39 = arith.constant 0 : index
      %swap3A_40 = vector.load %arg1[%swap3A, %swap3A_38, %swap3A_39] : memref<128x16x3xf32, #tpu.memory_space<vmem>>, vector<1x16x3xf32>
      tpu.vector_store %arg1[%swap3A, %swap3A_38, %swap3A_39], %broadcast_in_dim3A_37 {strides = array<i32>} : memref<128x16x3xf32, #tpu.memory_space<vmem>>, vector<1x16x3xf32>,
      %sub3A = vector.broadcast %broadcast_in_dim3A_28 : vector<16x1xf32> to vector<16x2048xf32>
      %sub3A_41 = arith.subf %get3A_3, %sub3A : vector<16x2048xf32>
      %integer_pow3A = arith.mulf %sub3A_41, %sub3A_41 : vector<16x2048xf32>
      %sub3A_42 = vector.broadcast %broadcast_in_dim3A_32 : vector<16x1xf32> to vector<16x2048xf32>
      %sub3A_43 = arith.subf %get3A_8, %sub3A_42 : vector<16x2048xf32>
      %integer_pow3A_44 = arith.mulf %sub3A_43, %sub3A_43 : vector<16x2048xf32>
      %add3A = arith.addf %integer_pow3A, %integer_pow3A_44 : vector<16x2048xf32>
      %sub3A_45 = vector.broadcast %broadcast_in_dim3A_36 : vector<16x1xf32> to vector<16x2048xf32>
      %sub3A_46 = arith.subf %get3A_13, %sub3A_45 : vector<16x2048xf32>
      %integer_pow3A_47 = arith.mulf %sub3A_46, %sub3A_46 : vector<16x2048xf32>
      %add3A_48 = arith.addf %add3A, %integer_pow3A_47 : vector<16x2048xf32>
      %min3A = arith.minimumf %scan3A_23, %add3A_48 : vector<16x2048xf32>
      %reduce_max3A = arith.constant dense<0xFF800000> : vector<16xf32>
      %reduce_max3A_49 = vector.multi_reduction <maximumf>, %min3A, %reduce_max3A [1] : vector<16x2048xf32> to vector<16xf32>
      %broadcast_in_dim3A_50 = vector.shape_cast %reduce_max3A_49 : vector<16xf32> to vector<16x1xf32>
      %eq3A_51 = vector.broadcast %broadcast_in_dim3A_50 : vector<16x1xf32> to vector<16x2048xf32>
      %eq3A_52 = arith.cmpf oeq, %min3A, %eq3A_51 : vector<16x2048xf32>
      %jit3A = arith.constant 2048 : i32
      %broadcast_in_dim3A_53 = vector.broadcast %jit3A : i32 to vector<16x2048xi32>
      %select_n3A = arith.select %eq3A_52, %iota3A, %broadcast_in_dim3A_53 : vector<16x2048xi1>, vector<16x2048xi32>
      %reduce_min3A = arith.constant dense<2147483647> : vector<16xi32>
      %reduce_min3A_54 = vector.multi_reduction <minsi>, %select_n3A, %reduce_min3A [1] : vector<16x2048xi32> to vector<16xi32>
      %broadcast_in_dim3A_55 = vector.shape_cast %reduce_min3A_54 : vector<16xi32> to vector<16x1xi32>
      scf.yield %min3A, %broadcast_in_dim3A_55 : vector<16x2048xf32>, vector<16x1xi32>
    }
    %scan3A_21 = arith.constant 128 : i32
    return
  }
}

module attributes {stable_mosaic.version = 14 : i64} {
  func.func @_ballq_body(%arg0: i32, %arg1: memref<1x128x3xf32, #tpu.memory_space<vmem>>, %arg2: memref<1x2048x3xf32, #tpu.memory_space<vmem>>, %arg3: memref<1x128x64xi32, #tpu.memory_space<vmem>>) attributes {dimension_semantics = [#tpu.dimension_semantics<arbitrary>], iteration_bounds = array<i64: 16>, scalar_prefetch = 0 : i64, scratch_operands = 0 : i64, tpu.core_type = #tpu.core_type<tc>, window_params = [{transform_indices = @transform_0, window_bounds = array<i64: 1, 128, 3>}, {transform_indices = @transform_1, window_bounds = array<i64: 1, 2048, 3>}, {transform_indices = @transform_2, window_bounds = array<i64: 1, 128, 64>}]} {
    %get3A = arith.constant 0 : index
    %get3A_0 = arith.constant 0 : index
    %get3A_1 = arith.constant 0 : index
    %get3A_2 = vector.load %arg1[%get3A, %get3A_0, %get3A_1] : memref<1x128x3xf32, #tpu.memory_space<vmem>>, vector<1x128x3xf32>
    %get3A_3 = vector.shape_cast %get3A_2 : vector<1x128x3xf32> to vector<128x3xf32>
    %get3A_4 = arith.constant 0 : index
    %get3A_5 = arith.constant 0 : index
    %get3A_6 = arith.constant 0 : index
    %get3A_7 = vector.load %arg2[%get3A_4, %get3A_5, %get3A_6] : memref<1x2048x3xf32, #tpu.memory_space<vmem>>, vector<1x2048x3xf32>
    %get3A_8 = vector.shape_cast %get3A_7 : vector<1x2048x3xf32> to vector<2048x3xf32>
    %convert_element_type3A = arith.truncf %get3A_3 : vector<128x3xf32> to vector<128x3xbf16>
    %convert_element_type3A_9 = arith.truncf %get3A_8 : vector<2048x3xf32> to vector<2048x3xbf16>
    %dot_general3A = arith.constant dense<0.000000e+00> : vector<128x2048xf32>
    %dot_general3A_10 = tpu.matmul %convert_element_type3A, %convert_element_type3A_9, %dot_general3A {dimension_numbers = #tpu.dot_dimension_numbers<[1], [1], [0], [0], [0, 0, 1, 0], [], []>, transpose_lhs_hint = false} : vector<128x3xbf16>, vector<2048x3xbf16>, vector<128x2048xf32> -> vector<128x2048xf32>
    %mul3A = arith.mulf %get3A_3, %get3A_3 : vector<128x3xf32>
    %reduce_sum3A = arith.constant dense<0.000000e+00> : vector<128xf32>
    %reduce_sum3A_11 = vector.multi_reduction <add>, %mul3A, %reduce_sum3A [1] : vector<128x3xf32> to vector<128xf32>
    %broadcast_in_dim3A = vector.shape_cast %reduce_sum3A_11 : vector<128xf32> to vector<128x1xf32>
    %mul3A_12 = arith.mulf %get3A_8, %get3A_8 : vector<2048x3xf32>
    %reduce_sum3A_13 = arith.constant dense<0.000000e+00> : vector<2048xf32>
    %reduce_sum3A_14 = vector.multi_reduction <add>, %mul3A_12, %reduce_sum3A_13 [1] : vector<2048x3xf32> to vector<2048xf32>
    %broadcast_in_dim3A_15 = vector.shape_cast %reduce_sum3A_14 : vector<2048xf32> to vector<2048x1xf32>
    %transpose3A = tpu.transpose %broadcast_in_dim3A_15, [1, 0] : vector<2048x1xf32> -> vector<1x2048xf32>
    %add3A = vector.broadcast %broadcast_in_dim3A : vector<128x1xf32> to vector<128x2048xf32>
    %add3A_16 = vector.broadcast %transpose3A : vector<1x2048xf32> to vector<128x2048xf32>
    %add3A_17 = arith.addf %add3A, %add3A_16 : vector<128x2048xf32>
    %mul3A_18 = arith.constant 2.000000e+00 : f32
    %mul3A_19 = vector.broadcast %mul3A_18 : f32 to vector<128x2048xf32>
    %mul3A_20 = arith.mulf %mul3A_19, %dot_general3A_10 : vector<128x2048xf32>
    %sub3A = arith.subf %add3A_17, %mul3A_20 : vector<128x2048xf32>
    %le3A = arith.constant 1.089000e-01 : f32
    %le3A_21 = vector.broadcast %le3A : f32 to vector<128x2048xf32>
    %le3A_22 = arith.cmpf ole, %sub3A, %le3A_21 : vector<128x2048xf32>
    %convert_element_type3A_23 = arith.extui %le3A_22 : vector<128x2048xi1> to vector<128x2048xi32>
    %broadcast_in_dim3A_24 = arith.constant 0 : i32
    %broadcast_in_dim3A_25 = vector.broadcast %broadcast_in_dim3A_24 : i32 to vector<128x1xi32>
    %slice3A = vector.extract_strided_slice %convert_element_type3A_23 {offsets = [0, 0], sizes = [128, 2047], strides = [1, 1]} : vector<128x2048xi32> to vector<128x2047xi32>
    %concatenate3A = tpu.concatenate %broadcast_in_dim3A_25, %slice3A in 1 : vector<128x1xi32>, vector<128x2047xi32> -> vector<128x2048xi32>
    %add3A_26 = arith.addi %convert_element_type3A_23, %concatenate3A : vector<128x2048xi32>
    %broadcast_in_dim3A_27 = arith.constant 0 : i32
    %broadcast_in_dim3A_28 = vector.broadcast %broadcast_in_dim3A_27 : i32 to vector<128x2xi32>
    %slice3A_29 = vector.extract_strided_slice %add3A_26 {offsets = [0, 0], sizes = [128, 2046], strides = [1, 1]} : vector<128x2048xi32> to vector<128x2046xi32>
    %concatenate3A_30 = tpu.concatenate %broadcast_in_dim3A_28, %slice3A_29 in 1 : vector<128x2xi32>, vector<128x2046xi32> -> vector<128x2048xi32>
    %add3A_31 = arith.addi %add3A_26, %concatenate3A_30 : vector<128x2048xi32>
    %broadcast_in_dim3A_32 = arith.constant 0 : i32
    %broadcast_in_dim3A_33 = vector.broadcast %broadcast_in_dim3A_32 : i32 to vector<128x4xi32>
    %slice3A_34 = vector.extract_strided_slice %add3A_31 {offsets = [0, 0], sizes = [128, 2044], strides = [1, 1]} : vector<128x2048xi32> to vector<128x2044xi32>
    %concatenate3A_35 = tpu.concatenate %broadcast_in_dim3A_33, %slice3A_34 in 1 : vector<128x4xi32>, vector<128x2044xi32> -> vector<128x2048xi32>
    %add3A_36 = arith.addi %add3A_31, %concatenate3A_35 : vector<128x2048xi32>
    %broadcast_in_dim3A_37 = arith.constant 0 : i32
    %broadcast_in_dim3A_38 = vector.broadcast %broadcast_in_dim3A_37 : i32 to vector<128x8xi32>
    %slice3A_39 = vector.extract_strided_slice %add3A_36 {offsets = [0, 0], sizes = [128, 2040], strides = [1, 1]} : vector<128x2048xi32> to vector<128x2040xi32>
    %concatenate3A_40 = tpu.concatenate %broadcast_in_dim3A_38, %slice3A_39 in 1 : vector<128x8xi32>, vector<128x2040xi32> -> vector<128x2048xi32>
    %add3A_41 = arith.addi %add3A_36, %concatenate3A_40 : vector<128x2048xi32>
    %broadcast_in_dim3A_42 = arith.constant 0 : i32
    %broadcast_in_dim3A_43 = vector.broadcast %broadcast_in_dim3A_42 : i32 to vector<128x16xi32>
    %slice3A_44 = vector.extract_strided_slice %add3A_41 {offsets = [0, 0], sizes = [128, 2032], strides = [1, 1]} : vector<128x2048xi32> to vector<128x2032xi32>
    %concatenate3A_45 = tpu.concatenate %broadcast_in_dim3A_43, %slice3A_44 in 1 : vector<128x16xi32>, vector<128x2032xi32> -> vector<128x2048xi32>
    %add3A_46 = arith.addi %add3A_41, %concatenate3A_45 : vector<128x2048xi32>
    %broadcast_in_dim3A_47 = arith.constant 0 : i32
    %broadcast_in_dim3A_48 = vector.broadcast %broadcast_in_dim3A_47 : i32 to vector<128x32xi32>
    %slice3A_49 = vector.extract_strided_slice %add3A_46 {offsets = [0, 0], sizes = [128, 2016], strides = [1, 1]} : vector<128x2048xi32> to vector<128x2016xi32>
    %concatenate3A_50 = tpu.concatenate %broadcast_in_dim3A_48, %slice3A_49 in 1 : vector<128x32xi32>, vector<128x2016xi32> -> vector<128x2048xi32>
    %add3A_51 = arith.addi %add3A_46, %concatenate3A_50 : vector<128x2048xi32>
    %broadcast_in_dim3A_52 = arith.constant 0 : i32
    %broadcast_in_dim3A_53 = vector.broadcast %broadcast_in_dim3A_52 : i32 to vector<128x64xi32>
    %slice3A_54 = vector.extract_strided_slice %add3A_51 {offsets = [0, 0], sizes = [128, 1984], strides = [1, 1]} : vector<128x2048xi32> to vector<128x1984xi32>
    %concatenate3A_55 = tpu.concatenate %broadcast_in_dim3A_53, %slice3A_54 in 1 : vector<128x64xi32>, vector<128x1984xi32> -> vector<128x2048xi32>
    %add3A_56 = arith.addi %add3A_51, %concatenate3A_55 : vector<128x2048xi32>
    %broadcast_in_dim3A_57 = arith.constant 0 : i32
    %broadcast_in_dim3A_58 = vector.broadcast %broadcast_in_dim3A_57 : i32 to vector<128x128xi32>
    %slice3A_59 = vector.extract_strided_slice %add3A_56 {offsets = [0, 0], sizes = [128, 1920], strides = [1, 1]} : vector<128x2048xi32> to vector<128x1920xi32>
    %concatenate3A_60 = tpu.concatenate %broadcast_in_dim3A_58, %slice3A_59 in 1 : vector<128x128xi32>, vector<128x1920xi32> -> vector<128x2048xi32>
    %add3A_61 = arith.addi %add3A_56, %concatenate3A_60 : vector<128x2048xi32>
    %broadcast_in_dim3A_62 = arith.constant 0 : i32
    %broadcast_in_dim3A_63 = vector.broadcast %broadcast_in_dim3A_62 : i32 to vector<128x256xi32>
    %slice3A_64 = vector.extract_strided_slice %add3A_61 {offsets = [0, 0], sizes = [128, 1792], strides = [1, 1]} : vector<128x2048xi32> to vector<128x1792xi32>
    %concatenate3A_65 = tpu.concatenate %broadcast_in_dim3A_63, %slice3A_64 in 1 : vector<128x256xi32>, vector<128x1792xi32> -> vector<128x2048xi32>
    %add3A_66 = arith.addi %add3A_61, %concatenate3A_65 : vector<128x2048xi32>
    %broadcast_in_dim3A_67 = arith.constant 0 : i32
    %broadcast_in_dim3A_68 = vector.broadcast %broadcast_in_dim3A_67 : i32 to vector<128x512xi32>
    %slice3A_69 = vector.extract_strided_slice %add3A_66 {offsets = [0, 0], sizes = [128, 1536], strides = [1, 1]} : vector<128x2048xi32> to vector<128x1536xi32>
    %concatenate3A_70 = tpu.concatenate %broadcast_in_dim3A_68, %slice3A_69 in 1 : vector<128x512xi32>, vector<128x1536xi32> -> vector<128x2048xi32>
    %add3A_71 = arith.addi %add3A_66, %concatenate3A_70 : vector<128x2048xi32>
    %broadcast_in_dim3A_72 = arith.constant 0 : i32
    %broadcast_in_dim3A_73 = vector.broadcast %broadcast_in_dim3A_72 : i32 to vector<128x1024xi32>
    %slice3A_74 = vector.extract_strided_slice %add3A_71 {offsets = [0, 0], sizes = [128, 1024], strides = [1, 1]} : vector<128x2048xi32> to vector<128x1024xi32>
    %concatenate3A_75 = tpu.concatenate %broadcast_in_dim3A_73, %slice3A_74 in 1 : vector<128x1024xi32>, vector<128x1024xi32> -> vector<128x2048xi32>
    %add3A_76 = arith.addi %add3A_71, %concatenate3A_75 : vector<128x2048xi32>
    %slice3A_77 = vector.extract_strided_slice %add3A_76 {offsets = [0, 2047], sizes = [128, 1], strides = [1, 1]} : vector<128x2048xi32> to vector<128x1xi32>
    %le3A_78 = arith.constant 64 : i32
    %le3A_79 = vector.broadcast %le3A_78 : i32 to vector<128x2048xi32>
    %le3A_80 = arith.cmpi sle, %add3A_76, %le3A_79 : vector<128x2048xi32>
    %and3A = arith.andi %le3A_22, %le3A_80 : vector<128x2048xi1>
    %jit3A = arith.constant 0 : i32
    %broadcast_in_dim3A_81 = vector.broadcast %jit3A : i32 to vector<128x2048xi32>
    %select_n3A = arith.select %and3A, %add3A_76, %broadcast_in_dim3A_81 : vector<128x2048xi1>, vector<128x2048xi32>
    %iota3A = tpu.iota {dimensions = array<i32: 1>} : vector<128x2048xi32>
    %eq3A = arith.constant 1 : i32
    %eq3A_82 = vector.broadcast %eq3A : i32 to vector<128x2048xi32>
    %eq3A_83 = arith.cmpi eq, %select_n3A, %eq3A_82 : vector<128x2048xi32>
    %jit3A_84 = arith.constant 0 : i32
    %broadcast_in_dim3A_85 = vector.broadcast %jit3A_84 : i32 to vector<128x2048xi32>
    %select_n3A_86 = arith.select %eq3A_83, %iota3A, %broadcast_in_dim3A_85 : vector<128x2048xi1>, vector<128x2048xi32>
    %reduce_sum3A_87 = arith.constant dense<0> : vector<128xi32>
    %reduce_sum3A_88 = vector.multi_reduction <add>, %select_n3A_86, %reduce_sum3A_87 [1] : vector<128x2048xi32> to vector<128xi32>
    %broadcast_in_dim3A_89 = vector.shape_cast %reduce_sum3A_88 : vector<128xi32> to vector<128x1xi32>
    %eq3A_90 = arith.constant 2 : i32
    %eq3A_91 = vector.broadcast %eq3A_90 : i32 to vector<128x2048xi32>
    %eq3A_92 = arith.cmpi eq, %select_n3A, %eq3A_91 : vector<128x2048xi32>
    %jit3A_93 = arith.constant 0 : i32
    %broadcast_in_dim3A_94 = vector.broadcast %jit3A_93 : i32 to vector<128x2048xi32>
    %select_n3A_95 = arith.select %eq3A_92, %iota3A, %broadcast_in_dim3A_94 : vector<128x2048xi1>, vector<128x2048xi32>
    %reduce_sum3A_96 = arith.constant dense<0> : vector<128xi32>
    %reduce_sum3A_97 = vector.multi_reduction <add>, %select_n3A_95, %reduce_sum3A_96 [1] : vector<128x2048xi32> to vector<128xi32>
    %broadcast_in_dim3A_98 = vector.shape_cast %reduce_sum3A_97 : vector<128xi32> to vector<128x1xi32>
    %eq3A_99 = arith.constant 3 : i32
    %eq3A_100 = vector.broadcast %eq3A_99 : i32 to vector<128x2048xi32>
    %eq3A_101 = arith.cmpi eq, %select_n3A, %eq3A_100 : vector<128x2048xi32>
    %jit3A_102 = arith.constant 0 : i32
    %broadcast_in_dim3A_103 = vector.broadcast %jit3A_102 : i32 to vector<128x2048xi32>
    %select_n3A_104 = arith.select %eq3A_101, %iota3A, %broadcast_in_dim3A_103 : vector<128x2048xi1>, vector<128x2048xi32>
    %reduce_sum3A_105 = arith.constant dense<0> : vector<128xi32>
    %reduce_sum3A_106 = vector.multi_reduction <add>, %select_n3A_104, %reduce_sum3A_105 [1] : vector<128x2048xi32> to vector<128xi32>
    %broadcast_in_dim3A_107 = vector.shape_cast %reduce_sum3A_106 : vector<128xi32> to vector<128x1xi32>
    %eq3A_108 = arith.constant 4 : i32
    %eq3A_109 = vector.broadcast %eq3A_108 : i32 to vector<128x2048xi32>
    %eq3A_110 = arith.cmpi eq, %select_n3A, %eq3A_109 : vector<128x2048xi32>
    %jit3A_111 = arith.constant 0 : i32
    %broadcast_in_dim3A_112 = vector.broadcast %jit3A_111 : i32 to vector<128x2048xi32>
    %select_n3A_113 = arith.select %eq3A_110, %iota3A, %broadcast_in_dim3A_112 : vector<128x2048xi1>, vector<128x2048xi32>
    %reduce_sum3A_114 = arith.constant dense<0> : vector<128xi32>
    %reduce_sum3A_115 = vector.multi_reduction <add>, %select_n3A_113, %reduce_sum3A_114 [1] : vector<128x2048xi32> to vector<128xi32>
    %broadcast_in_dim3A_116 = vector.shape_cast %reduce_sum3A_115 : vector<128xi32> to vector<128x1xi32>
    %eq3A_117 = arith.constant 5 : i32
    %eq3A_118 = vector.broadcast %eq3A_117 : i32 to vector<128x2048xi32>
    %eq3A_119 = arith.cmpi eq, %select_n3A, %eq3A_118 : vector<128x2048xi32>
    %jit3A_120 = arith.constant 0 : i32
    %broadcast_in_dim3A_121 = vector.broadcast %jit3A_120 : i32 to vector<128x2048xi32>
    %select_n3A_122 = arith.select %eq3A_119, %iota3A, %broadcast_in_dim3A_121 : vector<128x2048xi1>, vector<128x2048xi32>
    %reduce_sum3A_123 = arith.constant dense<0> : vector<128xi32>
    %reduce_sum3A_124 = vector.multi_reduction <add>, %select_n3A_122, %reduce_sum3A_123 [1] : vector<128x2048xi32> to vector<128xi32>
    %broadcast_in_dim3A_125 = vector.shape_cast %reduce_sum3A_124 : vector<128xi32> to vector<128x1xi32>
    %eq3A_126 = arith.constant 6 : i32
    %eq3A_127 = vector.broadcast %eq3A_126 : i32 to vector<128x2048xi32>
    %eq3A_128 = arith.cmpi eq, %select_n3A, %eq3A_127 : vector<128x2048xi32>
    %jit3A_129 = arith.constant 0 : i32
    %broadcast_in_dim3A_130 = vector.broadcast %jit3A_129 : i32 to vector<128x2048xi32>
    %select_n3A_131 = arith.select %eq3A_128, %iota3A, %broadcast_in_dim3A_130 : vector<128x2048xi1>, vector<128x2048xi32>
    %reduce_sum3A_132 = arith.constant dense<0> : vector<128xi32>
    %reduce_sum3A_133 = vector.multi_reduction <add>, %select_n3A_131, %reduce_sum3A_132 [1] : vector<128x2048xi32> to vector<128xi32>
    %broadcast_in_dim3A_134 = vector.shape_cast %reduce_sum3A_133 : vector<128xi32> to vector<128x1xi32>
    %eq3A_135 = arith.constant 7 : i32
    %eq3A_136 = vector.broadcast %eq3A_135 : i32 to vector<128x2048xi32>
    %eq3A_137 = arith.cmpi eq, %select_n3A, %eq3A_136 : vector<128x2048xi32>
    %jit3A_138 = arith.constant 0 : i32
    %broadcast_in_dim3A_139 = vector.broadcast %jit3A_138 : i32 to vector<128x2048xi32>
    %select_n3A_140 = arith.select %eq3A_137, %iota3A, %broadcast_in_dim3A_139 : vector<128x2048xi1>, vector<128x2048xi32>
    %reduce_sum3A_141 = arith.constant dense<0> : vector<128xi32>
    %reduce_sum3A_142 = vector.multi_reduction <add>, %select_n3A_140, %reduce_sum3A_141 [1] : vector<128x2048xi32> to vector<128xi32>
    %broadcast_in_dim3A_143 = vector.shape_cast %reduce_sum3A_142 : vector<128xi32> to vector<128x1xi32>
    %eq3A_144 = arith.constant 8 : i32
    %eq3A_145 = vector.broadcast %eq3A_144 : i32 to vector<128x2048xi32>
    %eq3A_146 = arith.cmpi eq, %select_n3A, %eq3A_145 : vector<128x2048xi32>
    %jit3A_147 = arith.constant 0 : i32
    %broadcast_in_dim3A_148 = vector.broadcast %jit3A_147 : i32 to vector<128x2048xi32>
    %select_n3A_149 = arith.select %eq3A_146, %iota3A, %broadcast_in_dim3A_148 : vector<128x2048xi1>, vector<128x2048xi32>
    %reduce_sum3A_150 = arith.constant dense<0> : vector<128xi32>
    %reduce_sum3A_151 = vector.multi_reduction <add>, %select_n3A_149, %reduce_sum3A_150 [1] : vector<128x2048xi32> to vector<128xi32>
    %broadcast_in_dim3A_152 = vector.shape_cast %reduce_sum3A_151 : vector<128xi32> to vector<128x1xi32>
    %eq3A_153 = arith.constant 9 : i32
    %eq3A_154 = vector.broadcast %eq3A_153 : i32 to vector<128x2048xi32>
    %eq3A_155 = arith.cmpi eq, %select_n3A, %eq3A_154 : vector<128x2048xi32>
    %jit3A_156 = arith.constant 0 : i32
    %broadcast_in_dim3A_157 = vector.broadcast %jit3A_156 : i32 to vector<128x2048xi32>
    %select_n3A_158 = arith.select %eq3A_155, %iota3A, %broadcast_in_dim3A_157 : vector<128x2048xi1>, vector<128x2048xi32>
    %reduce_sum3A_159 = arith.constant dense<0> : vector<128xi32>
    %reduce_sum3A_160 = vector.multi_reduction <add>, %select_n3A_158, %reduce_sum3A_159 [1] : vector<128x2048xi32> to vector<128xi32>
    %broadcast_in_dim3A_161 = vector.shape_cast %reduce_sum3A_160 : vector<128xi32> to vector<128x1xi32>
    %eq3A_162 = arith.constant 10 : i32
    %eq3A_163 = vector.broadcast %eq3A_162 : i32 to vector<128x2048xi32>
    %eq3A_164 = arith.cmpi eq, %select_n3A, %eq3A_163 : vector<128x2048xi32>
    %jit3A_165 = arith.constant 0 : i32
    %broadcast_in_dim3A_166 = vector.broadcast %jit3A_165 : i32 to vector<128x2048xi32>
    %select_n3A_167 = arith.select %eq3A_164, %iota3A, %broadcast_in_dim3A_166 : vector<128x2048xi1>, vector<128x2048xi32>
    %reduce_sum3A_168 = arith.constant dense<0> : vector<128xi32>
    %reduce_sum3A_169 = vector.multi_reduction <add>, %select_n3A_167, %reduce_sum3A_168 [1] : vector<128x2048xi32> to vector<128xi32>
    %broadcast_in_dim3A_170 = vector.shape_cast %reduce_sum3A_169 : vector<128xi32> to vector<128x1xi32>
    %eq3A_171 = arith.constant 11 : i32
    %eq3A_172 = vector.broadcast %eq3A_171 : i32 to vector<128x2048xi32>
    %eq3A_173 = arith.cmpi eq, %select_n3A, %eq3A_172 : vector<128x2048xi32>
    %jit3A_174 = arith.constant 0 : i32
    %broadcast_in_dim3A_175 = vector.broadcast %jit3A_174 : i32 to vector<128x2048xi32>
    %select_n3A_176 = arith.select %eq3A_173, %iota3A, %broadcast_in_dim3A_175 : vector<128x2048xi1>, vector<128x2048xi32>
    %reduce_sum3A_177 = arith.constant dense<0> : vector<128xi32>
    %reduce_sum3A_178 = vector.multi_reduction <add>, %select_n3A_176, %reduce_sum3A_177 [1] : vector<128x2048xi32> to vector<128xi32>
    %broadcast_in_dim3A_179 = vector.shape_cast %reduce_sum3A_178 : vector<128xi32> to vector<128x1xi32>
    %eq3A_180 = arith.constant 12 : i32
    %eq3A_181 = vector.broadcast %eq3A_180 : i32 to vector<128x2048xi32>
    %eq3A_182 = arith.cmpi eq, %select_n3A, %eq3A_181 : vector<128x2048xi32>
    %jit3A_183 = arith.constant 0 : i32
    %broadcast_in_dim3A_184 = vector.broadcast %jit3A_183 : i32 to vector<128x2048xi32>
    %select_n3A_185 = arith.select %eq3A_182, %iota3A, %broadcast_in_dim3A_184 : vector<128x2048xi1>, vector<128x2048xi32>
    %reduce_sum3A_186 = arith.constant dense<0> : vector<128xi32>
    %reduce_sum3A_187 = vector.multi_reduction <add>, %select_n3A_185, %reduce_sum3A_186 [1] : vector<128x2048xi32> to vector<128xi32>
    %broadcast_in_dim3A_188 = vector.shape_cast %reduce_sum3A_187 : vector<128xi32> to vector<128x1xi32>
    %eq3A_189 = arith.constant 13 : i32
    %eq3A_190 = vector.broadcast %eq3A_189 : i32 to vector<128x2048xi32>
    %eq3A_191 = arith.cmpi eq, %select_n3A, %eq3A_190 : vector<128x2048xi32>
    %jit3A_192 = arith.constant 0 : i32
    %broadcast_in_dim3A_193 = vector.broadcast %jit3A_192 : i32 to vector<128x2048xi32>
    %select_n3A_194 = arith.select %eq3A_191, %iota3A, %broadcast_in_dim3A_193 : vector<128x2048xi1>, vector<128x2048xi32>
    %reduce_sum3A_195 = arith.constant dense<0> : vector<128xi32>
    %reduce_sum3A_196 = vector.multi_reduction <add>, %select_n3A_194, %reduce_sum3A_195 [1] : vector<128x2048xi32> to vector<128xi32>
    %broadcast_in_dim3A_197 = vector.shape_cast %reduce_sum3A_196 : vector<128xi32> to vector<128x1xi32>
    %eq3A_198 = arith.constant 14 : i32
    %eq3A_199 = vector.broadcast %eq3A_198 : i32 to vector<128x2048xi32>
    %eq3A_200 = arith.cmpi eq, %select_n3A, %eq3A_199 : vector<128x2048xi32>
    %jit3A_201 = arith.constant 0 : i32
    %broadcast_in_dim3A_202 = vector.broadcast %jit3A_201 : i32 to vector<128x2048xi32>
    %select_n3A_203 = arith.select %eq3A_200, %iota3A, %broadcast_in_dim3A_202 : vector<128x2048xi1>, vector<128x2048xi32>
    %reduce_sum3A_204 = arith.constant dense<0> : vector<128xi32>
    %reduce_sum3A_205 = vector.multi_reduction <add>, %select_n3A_203, %reduce_sum3A_204 [1] : vector<128x2048xi32> to vector<128xi32>
    %broadcast_in_dim3A_206 = vector.shape_cast %reduce_sum3A_205 : vector<128xi32> to vector<128x1xi32>
    %eq3A_207 = arith.constant 15 : i32
    %eq3A_208 = vector.broadcast %eq3A_207 : i32 to vector<128x2048xi32>
    %eq3A_209 = arith.cmpi eq, %select_n3A, %eq3A_208 : vector<128x2048xi32>
    %jit3A_210 = arith.constant 0 : i32
    %broadcast_in_dim3A_211 = vector.broadcast %jit3A_210 : i32 to vector<128x2048xi32>
    %select_n3A_212 = arith.select %eq3A_209, %iota3A, %broadcast_in_dim3A_211 : vector<128x2048xi1>, vector<128x2048xi32>
    %reduce_sum3A_213 = arith.constant dense<0> : vector<128xi32>
    %reduce_sum3A_214 = vector.multi_reduction <add>, %select_n3A_212, %reduce_sum3A_213 [1] : vector<128x2048xi32> to vector<128xi32>
    %broadcast_in_dim3A_215 = vector.shape_cast %reduce_sum3A_214 : vector<128xi32> to vector<128x1xi32>
    %eq3A_216 = arith.constant 16 : i32
    %eq3A_217 = vector.broadcast %eq3A_216 : i32 to vector<128x2048xi32>
    %eq3A_218 = arith.cmpi eq, %select_n3A, %eq3A_217 : vector<128x2048xi32>
    %jit3A_219 = arith.constant 0 : i32
    %broadcast_in_dim3A_220 = vector.broadcast %jit3A_219 : i32 to vector<128x2048xi32>
    %select_n3A_221 = arith.select %eq3A_218, %iota3A, %broadcast_in_dim3A_220 : vector<128x2048xi1>, vector<128x2048xi32>
    %reduce_sum3A_222 = arith.constant dense<0> : vector<128xi32>
    %reduce_sum3A_223 = vector.multi_reduction <add>, %select_n3A_221, %reduce_sum3A_222 [1] : vector<128x2048xi32> to vector<128xi32>
    %broadcast_in_dim3A_224 = vector.shape_cast %reduce_sum3A_223 : vector<128xi32> to vector<128x1xi32>
    %eq3A_225 = arith.constant 17 : i32
    %eq3A_226 = vector.broadcast %eq3A_225 : i32 to vector<128x2048xi32>
    %eq3A_227 = arith.cmpi eq, %select_n3A, %eq3A_226 : vector<128x2048xi32>
    %jit3A_228 = arith.constant 0 : i32
    %broadcast_in_dim3A_229 = vector.broadcast %jit3A_228 : i32 to vector<128x2048xi32>
    %select_n3A_230 = arith.select %eq3A_227, %iota3A, %broadcast_in_dim3A_229 : vector<128x2048xi1>, vector<128x2048xi32>
    %reduce_sum3A_231 = arith.constant dense<0> : vector<128xi32>
    %reduce_sum3A_232 = vector.multi_reduction <add>, %select_n3A_230, %reduce_sum3A_231 [1] : vector<128x2048xi32> to vector<128xi32>
    %broadcast_in_dim3A_233 = vector.shape_cast %reduce_sum3A_232 : vector<128xi32> to vector<128x1xi32>
    %eq3A_234 = arith.constant 18 : i32
    %eq3A_235 = vector.broadcast %eq3A_234 : i32 to vector<128x2048xi32>
    %eq3A_236 = arith.cmpi eq, %select_n3A, %eq3A_235 : vector<128x2048xi32>
    %jit3A_237 = arith.constant 0 : i32
    %broadcast_in_dim3A_238 = vector.broadcast %jit3A_237 : i32 to vector<128x2048xi32>
    %select_n3A_239 = arith.select %eq3A_236, %iota3A, %broadcast_in_dim3A_238 : vector<128x2048xi1>, vector<128x2048xi32>
    %reduce_sum3A_240 = arith.constant dense<0> : vector<128xi32>
    %reduce_sum3A_241 = vector.multi_reduction <add>, %select_n3A_239, %reduce_sum3A_240 [1] : vector<128x2048xi32> to vector<128xi32>
    %broadcast_in_dim3A_242 = vector.shape_cast %reduce_sum3A_241 : vector<128xi32> to vector<128x1xi32>
    %eq3A_243 = arith.constant 19 : i32
    %eq3A_244 = vector.broadcast %eq3A_243 : i32 to vector<128x2048xi32>
    %eq3A_245 = arith.cmpi eq, %select_n3A, %eq3A_244 : vector<128x2048xi32>
    %jit3A_246 = arith.constant 0 : i32
    %broadcast_in_dim3A_247 = vector.broadcast %jit3A_246 : i32 to vector<128x2048xi32>
    %select_n3A_248 = arith.select %eq3A_245, %iota3A, %broadcast_in_dim3A_247 : vector<128x2048xi1>, vector<128x2048xi32>
    %reduce_sum3A_249 = arith.constant dense<0> : vector<128xi32>
    %reduce_sum3A_250 = vector.multi_reduction <add>, %select_n3A_248, %reduce_sum3A_249 [1] : vector<128x2048xi32> to vector<128xi32>
    %broadcast_in_dim3A_251 = vector.shape_cast %reduce_sum3A_250 : vector<128xi32> to vector<128x1xi32>
    %eq3A_252 = arith.constant 20 : i32
    %eq3A_253 = vector.broadcast %eq3A_252 : i32 to vector<128x2048xi32>
    %eq3A_254 = arith.cmpi eq, %select_n3A, %eq3A_253 : vector<128x2048xi32>
    %jit3A_255 = arith.constant 0 : i32
    %broadcast_in_dim3A_256 = vector.broadcast %jit3A_255 : i32 to vector<128x2048xi32>
    %select_n3A_257 = arith.select %eq3A_254, %iota3A, %broadcast_in_dim3A_256 : vector<128x2048xi1>, vector<128x2048xi32>
    %reduce_sum3A_258 = arith.constant dense<0> : vector<128xi32>
    %reduce_sum3A_259 = vector.multi_reduction <add>, %select_n3A_257, %reduce_sum3A_258 [1] : vector<128x2048xi32> to vector<128xi32>
    %broadcast_in_dim3A_260 = vector.shape_cast %reduce_sum3A_259 : vector<128xi32> to vector<128x1xi32>
    %eq3A_261 = arith.constant 21 : i32
    %eq3A_262 = vector.broadcast %eq3A_261 : i32 to vector<128x2048xi32>
    %eq3A_263 = arith.cmpi eq, %select_n3A, %eq3A_262 : vector<128x2048xi32>
    %jit3A_264 = arith.constant 0 : i32
    %broadcast_in_dim3A_265 = vector.broadcast %jit3A_264 : i32 to vector<128x2048xi32>
    %select_n3A_266 = arith.select %eq3A_263, %iota3A, %broadcast_in_dim3A_265 : vector<128x2048xi1>, vector<128x2048xi32>
    %reduce_sum3A_267 = arith.constant dense<0> : vector<128xi32>
    %reduce_sum3A_268 = vector.multi_reduction <add>, %select_n3A_266, %reduce_sum3A_267 [1] : vector<128x2048xi32> to vector<128xi32>
    %broadcast_in_dim3A_269 = vector.shape_cast %reduce_sum3A_268 : vector<128xi32> to vector<128x1xi32>
    %eq3A_270 = arith.constant 22 : i32
    %eq3A_271 = vector.broadcast %eq3A_270 : i32 to vector<128x2048xi32>
    %eq3A_272 = arith.cmpi eq, %select_n3A, %eq3A_271 : vector<128x2048xi32>
    %jit3A_273 = arith.constant 0 : i32
    %broadcast_in_dim3A_274 = vector.broadcast %jit3A_273 : i32 to vector<128x2048xi32>
    %select_n3A_275 = arith.select %eq3A_272, %iota3A, %broadcast_in_dim3A_274 : vector<128x2048xi1>, vector<128x2048xi32>
    %reduce_sum3A_276 = arith.constant dense<0> : vector<128xi32>
    %reduce_sum3A_277 = vector.multi_reduction <add>, %select_n3A_275, %reduce_sum3A_276 [1] : vector<128x2048xi32> to vector<128xi32>
    %broadcast_in_dim3A_278 = vector.shape_cast %reduce_sum3A_277 : vector<128xi32> to vector<128x1xi32>
    %eq3A_279 = arith.constant 23 : i32
    %eq3A_280 = vector.broadcast %eq3A_279 : i32 to vector<128x2048xi32>
    %eq3A_281 = arith.cmpi eq, %select_n3A, %eq3A_280 : vector<128x2048xi32>
    %jit3A_282 = arith.constant 0 : i32
    %broadcast_in_dim3A_283 = vector.broadcast %jit3A_282 : i32 to vector<128x2048xi32>
    %select_n3A_284 = arith.select %eq3A_281, %iota3A, %broadcast_in_dim3A_283 : vector<128x2048xi1>, vector<128x2048xi32>
    %reduce_sum3A_285 = arith.constant dense<0> : vector<128xi32>
    %reduce_sum3A_286 = vector.multi_reduction <add>, %select_n3A_284, %reduce_sum3A_285 [1] : vector<128x2048xi32> to vector<128xi32>
    %broadcast_in_dim3A_287 = vector.shape_cast %reduce_sum3A_286 : vector<128xi32> to vector<128x1xi32>
    %eq3A_288 = arith.constant 24 : i32
    %eq3A_289 = vector.broadcast %eq3A_288 : i32 to vector<128x2048xi32>
    %eq3A_290 = arith.cmpi eq, %select_n3A, %eq3A_289 : vector<128x2048xi32>
    %jit3A_291 = arith.constant 0 : i32
    %broadcast_in_dim3A_292 = vector.broadcast %jit3A_291 : i32 to vector<128x2048xi32>
    %select_n3A_293 = arith.select %eq3A_290, %iota3A, %broadcast_in_dim3A_292 : vector<128x2048xi1>, vector<128x2048xi32>
    %reduce_sum3A_294 = arith.constant dense<0> : vector<128xi32>
    %reduce_sum3A_295 = vector.multi_reduction <add>, %select_n3A_293, %reduce_sum3A_294 [1] : vector<128x2048xi32> to vector<128xi32>
    %broadcast_in_dim3A_296 = vector.shape_cast %reduce_sum3A_295 : vector<128xi32> to vector<128x1xi32>
    %eq3A_297 = arith.constant 25 : i32
    %eq3A_298 = vector.broadcast %eq3A_297 : i32 to vector<128x2048xi32>
    %eq3A_299 = arith.cmpi eq, %select_n3A, %eq3A_298 : vector<128x2048xi32>
    %jit3A_300 = arith.constant 0 : i32
    %broadcast_in_dim3A_301 = vector.broadcast %jit3A_300 : i32 to vector<128x2048xi32>
    %select_n3A_302 = arith.select %eq3A_299, %iota3A, %broadcast_in_dim3A_301 : vector<128x2048xi1>, vector<128x2048xi32>
    %reduce_sum3A_303 = arith.constant dense<0> : vector<128xi32>
    %reduce_sum3A_304 = vector.multi_reduction <add>, %select_n3A_302, %reduce_sum3A_303 [1] : vector<128x2048xi32> to vector<128xi32>
    %broadcast_in_dim3A_305 = vector.shape_cast %reduce_sum3A_304 : vector<128xi32> to vector<128x1xi32>
    %eq3A_306 = arith.constant 26 : i32
    %eq3A_307 = vector.broadcast %eq3A_306 : i32 to vector<128x2048xi32>
    %eq3A_308 = arith.cmpi eq, %select_n3A, %eq3A_307 : vector<128x2048xi32>
    %jit3A_309 = arith.constant 0 : i32
    %broadcast_in_dim3A_310 = vector.broadcast %jit3A_309 : i32 to vector<128x2048xi32>
    %select_n3A_311 = arith.select %eq3A_308, %iota3A, %broadcast_in_dim3A_310 : vector<128x2048xi1>, vector<128x2048xi32>
    %reduce_sum3A_312 = arith.constant dense<0> : vector<128xi32>
    %reduce_sum3A_313 = vector.multi_reduction <add>, %select_n3A_311, %reduce_sum3A_312 [1] : vector<128x2048xi32> to vector<128xi32>
    %broadcast_in_dim3A_314 = vector.shape_cast %reduce_sum3A_313 : vector<128xi32> to vector<128x1xi32>
    %eq3A_315 = arith.constant 27 : i32
    %eq3A_316 = vector.broadcast %eq3A_315 : i32 to vector<128x2048xi32>
    %eq3A_317 = arith.cmpi eq, %select_n3A, %eq3A_316 : vector<128x2048xi32>
    %jit3A_318 = arith.constant 0 : i32
    %broadcast_in_dim3A_319 = vector.broadcast %jit3A_318 : i32 to vector<128x2048xi32>
    %select_n3A_320 = arith.select %eq3A_317, %iota3A, %broadcast_in_dim3A_319 : vector<128x2048xi1>, vector<128x2048xi32>
    %reduce_sum3A_321 = arith.constant dense<0> : vector<128xi32>
    %reduce_sum3A_322 = vector.multi_reduction <add>, %select_n3A_320, %reduce_sum3A_321 [1] : vector<128x2048xi32> to vector<128xi32>
    %broadcast_in_dim3A_323 = vector.shape_cast %reduce_sum3A_322 : vector<128xi32> to vector<128x1xi32>
    %eq3A_324 = arith.constant 28 : i32
    %eq3A_325 = vector.broadcast %eq3A_324 : i32 to vector<128x2048xi32>
    %eq3A_326 = arith.cmpi eq, %select_n3A, %eq3A_325 : vector<128x2048xi32>
    %jit3A_327 = arith.constant 0 : i32
    %broadcast_in_dim3A_328 = vector.broadcast %jit3A_327 : i32 to vector<128x2048xi32>
    %select_n3A_329 = arith.select %eq3A_326, %iota3A, %broadcast_in_dim3A_328 : vector<128x2048xi1>, vector<128x2048xi32>
    %reduce_sum3A_330 = arith.constant dense<0> : vector<128xi32>
    %reduce_sum3A_331 = vector.multi_reduction <add>, %select_n3A_329, %reduce_sum3A_330 [1] : vector<128x2048xi32> to vector<128xi32>
    %broadcast_in_dim3A_332 = vector.shape_cast %reduce_sum3A_331 : vector<128xi32> to vector<128x1xi32>
    %eq3A_333 = arith.constant 29 : i32
    %eq3A_334 = vector.broadcast %eq3A_333 : i32 to vector<128x2048xi32>
    %eq3A_335 = arith.cmpi eq, %select_n3A, %eq3A_334 : vector<128x2048xi32>
    %jit3A_336 = arith.constant 0 : i32
    %broadcast_in_dim3A_337 = vector.broadcast %jit3A_336 : i32 to vector<128x2048xi32>
    %select_n3A_338 = arith.select %eq3A_335, %iota3A, %broadcast_in_dim3A_337 : vector<128x2048xi1>, vector<128x2048xi32>
    %reduce_sum3A_339 = arith.constant dense<0> : vector<128xi32>
    %reduce_sum3A_340 = vector.multi_reduction <add>, %select_n3A_338, %reduce_sum3A_339 [1] : vector<128x2048xi32> to vector<128xi32>
    %broadcast_in_dim3A_341 = vector.shape_cast %reduce_sum3A_340 : vector<128xi32> to vector<128x1xi32>
    %eq3A_342 = arith.constant 30 : i32
    %eq3A_343 = vector.broadcast %eq3A_342 : i32 to vector<128x2048xi32>
    %eq3A_344 = arith.cmpi eq, %select_n3A, %eq3A_343 : vector<128x2048xi32>
    %jit3A_345 = arith.constant 0 : i32
    %broadcast_in_dim3A_346 = vector.broadcast %jit3A_345 : i32 to vector<128x2048xi32>
    %select_n3A_347 = arith.select %eq3A_344, %iota3A, %broadcast_in_dim3A_346 : vector<128x2048xi1>, vector<128x2048xi32>
    %reduce_sum3A_348 = arith.constant dense<0> : vector<128xi32>
    %reduce_sum3A_349 = vector.multi_reduction <add>, %select_n3A_347, %reduce_sum3A_348 [1] : vector<128x2048xi32> to vector<128xi32>
    %broadcast_in_dim3A_350 = vector.shape_cast %reduce_sum3A_349 : vector<128xi32> to vector<128x1xi32>
    %eq3A_351 = arith.constant 31 : i32
    %eq3A_352 = vector.broadcast %eq3A_351 : i32 to vector<128x2048xi32>
    %eq3A_353 = arith.cmpi eq, %select_n3A, %eq3A_352 : vector<128x2048xi32>
    %jit3A_354 = arith.constant 0 : i32
    %broadcast_in_dim3A_355 = vector.broadcast %jit3A_354 : i32 to vector<128x2048xi32>
    %select_n3A_356 = arith.select %eq3A_353, %iota3A, %broadcast_in_dim3A_355 : vector<128x2048xi1>, vector<128x2048xi32>
    %reduce_sum3A_357 = arith.constant dense<0> : vector<128xi32>
    %reduce_sum3A_358 = vector.multi_reduction <add>, %select_n3A_356, %reduce_sum3A_357 [1] : vector<128x2048xi32> to vector<128xi32>
    %broadcast_in_dim3A_359 = vector.shape_cast %reduce_sum3A_358 : vector<128xi32> to vector<128x1xi32>
    %eq3A_360 = arith.constant 32 : i32
    %eq3A_361 = vector.broadcast %eq3A_360 : i32 to vector<128x2048xi32>
    %eq3A_362 = arith.cmpi eq, %select_n3A, %eq3A_361 : vector<128x2048xi32>
    %jit3A_363 = arith.constant 0 : i32
    %broadcast_in_dim3A_364 = vector.broadcast %jit3A_363 : i32 to vector<128x2048xi32>
    %select_n3A_365 = arith.select %eq3A_362, %iota3A, %broadcast_in_dim3A_364 : vector<128x2048xi1>, vector<128x2048xi32>
    %reduce_sum3A_366 = arith.constant dense<0> : vector<128xi32>
    %reduce_sum3A_367 = vector.multi_reduction <add>, %select_n3A_365, %reduce_sum3A_366 [1] : vector<128x2048xi32> to vector<128xi32>
    %broadcast_in_dim3A_368 = vector.shape_cast %reduce_sum3A_367 : vector<128xi32> to vector<128x1xi32>
    %eq3A_369 = arith.constant 33 : i32
    %eq3A_370 = vector.broadcast %eq3A_369 : i32 to vector<128x2048xi32>
    %eq3A_371 = arith.cmpi eq, %select_n3A, %eq3A_370 : vector<128x2048xi32>
    %jit3A_372 = arith.constant 0 : i32
    %broadcast_in_dim3A_373 = vector.broadcast %jit3A_372 : i32 to vector<128x2048xi32>
    %select_n3A_374 = arith.select %eq3A_371, %iota3A, %broadcast_in_dim3A_373 : vector<128x2048xi1>, vector<128x2048xi32>
    %reduce_sum3A_375 = arith.constant dense<0> : vector<128xi32>
    %reduce_sum3A_376 = vector.multi_reduction <add>, %select_n3A_374, %reduce_sum3A_375 [1] : vector<128x2048xi32> to vector<128xi32>
    %broadcast_in_dim3A_377 = vector.shape_cast %reduce_sum3A_376 : vector<128xi32> to vector<128x1xi32>
    %eq3A_378 = arith.constant 34 : i32
    %eq3A_379 = vector.broadcast %eq3A_378 : i32 to vector<128x2048xi32>
    %eq3A_380 = arith.cmpi eq, %select_n3A, %eq3A_379 : vector<128x2048xi32>
    %jit3A_381 = arith.constant 0 : i32
    %broadcast_in_dim3A_382 = vector.broadcast %jit3A_381 : i32 to vector<128x2048xi32>
    %select_n3A_383 = arith.select %eq3A_380, %iota3A, %broadcast_in_dim3A_382 : vector<128x2048xi1>, vector<128x2048xi32>
    %reduce_sum3A_384 = arith.constant dense<0> : vector<128xi32>
    %reduce_sum3A_385 = vector.multi_reduction <add>, %select_n3A_383, %reduce_sum3A_384 [1] : vector<128x2048xi32> to vector<128xi32>
    %broadcast_in_dim3A_386 = vector.shape_cast %reduce_sum3A_385 : vector<128xi32> to vector<128x1xi32>
    %eq3A_387 = arith.constant 35 : i32
    %eq3A_388 = vector.broadcast %eq3A_387 : i32 to vector<128x2048xi32>
    %eq3A_389 = arith.cmpi eq, %select_n3A, %eq3A_388 : vector<128x2048xi32>
    %jit3A_390 = arith.constant 0 : i32
    %broadcast_in_dim3A_391 = vector.broadcast %jit3A_390 : i32 to vector<128x2048xi32>
    %select_n3A_392 = arith.select %eq3A_389, %iota3A, %broadcast_in_dim3A_391 : vector<128x2048xi1>, vector<128x2048xi32>
    %reduce_sum3A_393 = arith.constant dense<0> : vector<128xi32>
    %reduce_sum3A_394 = vector.multi_reduction <add>, %select_n3A_392, %reduce_sum3A_393 [1] : vector<128x2048xi32> to vector<128xi32>
    %broadcast_in_dim3A_395 = vector.shape_cast %reduce_sum3A_394 : vector<128xi32> to vector<128x1xi32>
    %eq3A_396 = arith.constant 36 : i32
    %eq3A_397 = vector.broadcast %eq3A_396 : i32 to vector<128x2048xi32>
    %eq3A_398 = arith.cmpi eq, %select_n3A, %eq3A_397 : vector<128x2048xi32>
    %jit3A_399 = arith.constant 0 : i32
    %broadcast_in_dim3A_400 = vector.broadcast %jit3A_399 : i32 to vector<128x2048xi32>
    %select_n3A_401 = arith.select %eq3A_398, %iota3A, %broadcast_in_dim3A_400 : vector<128x2048xi1>, vector<128x2048xi32>
    %reduce_sum3A_402 = arith.constant dense<0> : vector<128xi32>
    %reduce_sum3A_403 = vector.multi_reduction <add>, %select_n3A_401, %reduce_sum3A_402 [1] : vector<128x2048xi32> to vector<128xi32>
    %broadcast_in_dim3A_404 = vector.shape_cast %reduce_sum3A_403 : vector<128xi32> to vector<128x1xi32>
    %eq3A_405 = arith.constant 37 : i32
    %eq3A_406 = vector.broadcast %eq3A_405 : i32 to vector<128x2048xi32>
    %eq3A_407 = arith.cmpi eq, %select_n3A, %eq3A_406 : vector<128x2048xi32>
    %jit3A_408 = arith.constant 0 : i32
    %broadcast_in_dim3A_409 = vector.broadcast %jit3A_408 : i32 to vector<128x2048xi32>
    %select_n3A_410 = arith.select %eq3A_407, %iota3A, %broadcast_in_dim3A_409 : vector<128x2048xi1>, vector<128x2048xi32>
    %reduce_sum3A_411 = arith.constant dense<0> : vector<128xi32>
    %reduce_sum3A_412 = vector.multi_reduction <add>, %select_n3A_410, %reduce_sum3A_411 [1] : vector<128x2048xi32> to vector<128xi32>
    %broadcast_in_dim3A_413 = vector.shape_cast %reduce_sum3A_412 : vector<128xi32> to vector<128x1xi32>
    %eq3A_414 = arith.constant 38 : i32
    %eq3A_415 = vector.broadcast %eq3A_414 : i32 to vector<128x2048xi32>
    %eq3A_416 = arith.cmpi eq, %select_n3A, %eq3A_415 : vector<128x2048xi32>
    %jit3A_417 = arith.constant 0 : i32
    %broadcast_in_dim3A_418 = vector.broadcast %jit3A_417 : i32 to vector<128x2048xi32>
    %select_n3A_419 = arith.select %eq3A_416, %iota3A, %broadcast_in_dim3A_418 : vector<128x2048xi1>, vector<128x2048xi32>
    %reduce_sum3A_420 = arith.constant dense<0> : vector<128xi32>
    %reduce_sum3A_421 = vector.multi_reduction <add>, %select_n3A_419, %reduce_sum3A_420 [1] : vector<128x2048xi32> to vector<128xi32>
    %broadcast_in_dim3A_422 = vector.shape_cast %reduce_sum3A_421 : vector<128xi32> to vector<128x1xi32>
    %eq3A_423 = arith.constant 39 : i32
    %eq3A_424 = vector.broadcast %eq3A_423 : i32 to vector<128x2048xi32>
    %eq3A_425 = arith.cmpi eq, %select_n3A, %eq3A_424 : vector<128x2048xi32>
    %jit3A_426 = arith.constant 0 : i32
    %broadcast_in_dim3A_427 = vector.broadcast %jit3A_426 : i32 to vector<128x2048xi32>
    %select_n3A_428 = arith.select %eq3A_425, %iota3A, %broadcast_in_dim3A_427 : vector<128x2048xi1>, vector<128x2048xi32>
    %reduce_sum3A_429 = arith.constant dense<0> : vector<128xi32>
    %reduce_sum3A_430 = vector.multi_reduction <add>, %select_n3A_428, %reduce_sum3A_429 [1] : vector<128x2048xi32> to vector<128xi32>
    %broadcast_in_dim3A_431 = vector.shape_cast %reduce_sum3A_430 : vector<128xi32> to vector<128x1xi32>
    %eq3A_432 = arith.constant 40 : i32
    %eq3A_433 = vector.broadcast %eq3A_432 : i32 to vector<128x2048xi32>
    %eq3A_434 = arith.cmpi eq, %select_n3A, %eq3A_433 : vector<128x2048xi32>
    %jit3A_435 = arith.constant 0 : i32
    %broadcast_in_dim3A_436 = vector.broadcast %jit3A_435 : i32 to vector<128x2048xi32>
    %select_n3A_437 = arith.select %eq3A_434, %iota3A, %broadcast_in_dim3A_436 : vector<128x2048xi1>, vector<128x2048xi32>
    %reduce_sum3A_438 = arith.constant dense<0> : vector<128xi32>
    %reduce_sum3A_439 = vector.multi_reduction <add>, %select_n3A_437, %reduce_sum3A_438 [1] : vector<128x2048xi32> to vector<128xi32>
    %broadcast_in_dim3A_440 = vector.shape_cast %reduce_sum3A_439 : vector<128xi32> to vector<128x1xi32>
    %eq3A_441 = arith.constant 41 : i32
    %eq3A_442 = vector.broadcast %eq3A_441 : i32 to vector<128x2048xi32>
    %eq3A_443 = arith.cmpi eq, %select_n3A, %eq3A_442 : vector<128x2048xi32>
    %jit3A_444 = arith.constant 0 : i32
    %broadcast_in_dim3A_445 = vector.broadcast %jit3A_444 : i32 to vector<128x2048xi32>
    %select_n3A_446 = arith.select %eq3A_443, %iota3A, %broadcast_in_dim3A_445 : vector<128x2048xi1>, vector<128x2048xi32>
    %reduce_sum3A_447 = arith.constant dense<0> : vector<128xi32>
    %reduce_sum3A_448 = vector.multi_reduction <add>, %select_n3A_446, %reduce_sum3A_447 [1] : vector<128x2048xi32> to vector<128xi32>
    %broadcast_in_dim3A_449 = vector.shape_cast %reduce_sum3A_448 : vector<128xi32> to vector<128x1xi32>
    %eq3A_450 = arith.constant 42 : i32
    %eq3A_451 = vector.broadcast %eq3A_450 : i32 to vector<128x2048xi32>
    %eq3A_452 = arith.cmpi eq, %select_n3A, %eq3A_451 : vector<128x2048xi32>
    %jit3A_453 = arith.constant 0 : i32
    %broadcast_in_dim3A_454 = vector.broadcast %jit3A_453 : i32 to vector<128x2048xi32>
    %select_n3A_455 = arith.select %eq3A_452, %iota3A, %broadcast_in_dim3A_454 : vector<128x2048xi1>, vector<128x2048xi32>
    %reduce_sum3A_456 = arith.constant dense<0> : vector<128xi32>
    %reduce_sum3A_457 = vector.multi_reduction <add>, %select_n3A_455, %reduce_sum3A_456 [1] : vector<128x2048xi32> to vector<128xi32>
    %broadcast_in_dim3A_458 = vector.shape_cast %reduce_sum3A_457 : vector<128xi32> to vector<128x1xi32>
    %eq3A_459 = arith.constant 43 : i32
    %eq3A_460 = vector.broadcast %eq3A_459 : i32 to vector<128x2048xi32>
    %eq3A_461 = arith.cmpi eq, %select_n3A, %eq3A_460 : vector<128x2048xi32>
    %jit3A_462 = arith.constant 0 : i32
    %broadcast_in_dim3A_463 = vector.broadcast %jit3A_462 : i32 to vector<128x2048xi32>
    %select_n3A_464 = arith.select %eq3A_461, %iota3A, %broadcast_in_dim3A_463 : vector<128x2048xi1>, vector<128x2048xi32>
    %reduce_sum3A_465 = arith.constant dense<0> : vector<128xi32>
    %reduce_sum3A_466 = vector.multi_reduction <add>, %select_n3A_464, %reduce_sum3A_465 [1] : vector<128x2048xi32> to vector<128xi32>
    %broadcast_in_dim3A_467 = vector.shape_cast %reduce_sum3A_466 : vector<128xi32> to vector<128x1xi32>
    %eq3A_468 = arith.constant 44 : i32
    %eq3A_469 = vector.broadcast %eq3A_468 : i32 to vector<128x2048xi32>
    %eq3A_470 = arith.cmpi eq, %select_n3A, %eq3A_469 : vector<128x2048xi32>
    %jit3A_471 = arith.constant 0 : i32
    %broadcast_in_dim3A_472 = vector.broadcast %jit3A_471 : i32 to vector<128x2048xi32>
    %select_n3A_473 = arith.select %eq3A_470, %iota3A, %broadcast_in_dim3A_472 : vector<128x2048xi1>, vector<128x2048xi32>
    %reduce_sum3A_474 = arith.constant dense<0> : vector<128xi32>
    %reduce_sum3A_475 = vector.multi_reduction <add>, %select_n3A_473, %reduce_sum3A_474 [1] : vector<128x2048xi32> to vector<128xi32>
    %broadcast_in_dim3A_476 = vector.shape_cast %reduce_sum3A_475 : vector<128xi32> to vector<128x1xi32>
    %eq3A_477 = arith.constant 45 : i32
    %eq3A_478 = vector.broadcast %eq3A_477 : i32 to vector<128x2048xi32>
    %eq3A_479 = arith.cmpi eq, %select_n3A, %eq3A_478 : vector<128x2048xi32>
    %jit3A_480 = arith.constant 0 : i32
    %broadcast_in_dim3A_481 = vector.broadcast %jit3A_480 : i32 to vector<128x2048xi32>
    %select_n3A_482 = arith.select %eq3A_479, %iota3A, %broadcast_in_dim3A_481 : vector<128x2048xi1>, vector<128x2048xi32>
    %reduce_sum3A_483 = arith.constant dense<0> : vector<128xi32>
    %reduce_sum3A_484 = vector.multi_reduction <add>, %select_n3A_482, %reduce_sum3A_483 [1] : vector<128x2048xi32> to vector<128xi32>
    %broadcast_in_dim3A_485 = vector.shape_cast %reduce_sum3A_484 : vector<128xi32> to vector<128x1xi32>
    %eq3A_486 = arith.constant 46 : i32
    %eq3A_487 = vector.broadcast %eq3A_486 : i32 to vector<128x2048xi32>
    %eq3A_488 = arith.cmpi eq, %select_n3A, %eq3A_487 : vector<128x2048xi32>
    %jit3A_489 = arith.constant 0 : i32
    %broadcast_in_dim3A_490 = vector.broadcast %jit3A_489 : i32 to vector<128x2048xi32>
    %select_n3A_491 = arith.select %eq3A_488, %iota3A, %broadcast_in_dim3A_490 : vector<128x2048xi1>, vector<128x2048xi32>
    %reduce_sum3A_492 = arith.constant dense<0> : vector<128xi32>
    %reduce_sum3A_493 = vector.multi_reduction <add>, %select_n3A_491, %reduce_sum3A_492 [1] : vector<128x2048xi32> to vector<128xi32>
    %broadcast_in_dim3A_494 = vector.shape_cast %reduce_sum3A_493 : vector<128xi32> to vector<128x1xi32>
    %eq3A_495 = arith.constant 47 : i32
    %eq3A_496 = vector.broadcast %eq3A_495 : i32 to vector<128x2048xi32>
    %eq3A_497 = arith.cmpi eq, %select_n3A, %eq3A_496 : vector<128x2048xi32>
    %jit3A_498 = arith.constant 0 : i32
    %broadcast_in_dim3A_499 = vector.broadcast %jit3A_498 : i32 to vector<128x2048xi32>
    %select_n3A_500 = arith.select %eq3A_497, %iota3A, %broadcast_in_dim3A_499 : vector<128x2048xi1>, vector<128x2048xi32>
    %reduce_sum3A_501 = arith.constant dense<0> : vector<128xi32>
    %reduce_sum3A_502 = vector.multi_reduction <add>, %select_n3A_500, %reduce_sum3A_501 [1] : vector<128x2048xi32> to vector<128xi32>
    %broadcast_in_dim3A_503 = vector.shape_cast %reduce_sum3A_502 : vector<128xi32> to vector<128x1xi32>
    %eq3A_504 = arith.constant 48 : i32
    %eq3A_505 = vector.broadcast %eq3A_504 : i32 to vector<128x2048xi32>
    %eq3A_506 = arith.cmpi eq, %select_n3A, %eq3A_505 : vector<128x2048xi32>
    %jit3A_507 = arith.constant 0 : i32
    %broadcast_in_dim3A_508 = vector.broadcast %jit3A_507 : i32 to vector<128x2048xi32>
    %select_n3A_509 = arith.select %eq3A_506, %iota3A, %broadcast_in_dim3A_508 : vector<128x2048xi1>, vector<128x2048xi32>
    %reduce_sum3A_510 = arith.constant dense<0> : vector<128xi32>
    %reduce_sum3A_511 = vector.multi_reduction <add>, %select_n3A_509, %reduce_sum3A_510 [1] : vector<128x2048xi32> to vector<128xi32>
    %broadcast_in_dim3A_512 = vector.shape_cast %reduce_sum3A_511 : vector<128xi32> to vector<128x1xi32>
    %eq3A_513 = arith.constant 49 : i32
    %eq3A_514 = vector.broadcast %eq3A_513 : i32 to vector<128x2048xi32>
    %eq3A_515 = arith.cmpi eq, %select_n3A, %eq3A_514 : vector<128x2048xi32>
    %jit3A_516 = arith.constant 0 : i32
    %broadcast_in_dim3A_517 = vector.broadcast %jit3A_516 : i32 to vector<128x2048xi32>
    %select_n3A_518 = arith.select %eq3A_515, %iota3A, %broadcast_in_dim3A_517 : vector<128x2048xi1>, vector<128x2048xi32>
    %reduce_sum3A_519 = arith.constant dense<0> : vector<128xi32>
    %reduce_sum3A_520 = vector.multi_reduction <add>, %select_n3A_518, %reduce_sum3A_519 [1] : vector<128x2048xi32> to vector<128xi32>
    %broadcast_in_dim3A_521 = vector.shape_cast %reduce_sum3A_520 : vector<128xi32> to vector<128x1xi32>
    %eq3A_522 = arith.constant 50 : i32
    %eq3A_523 = vector.broadcast %eq3A_522 : i32 to vector<128x2048xi32>
    %eq3A_524 = arith.cmpi eq, %select_n3A, %eq3A_523 : vector<128x2048xi32>
    %jit3A_525 = arith.constant 0 : i32
    %broadcast_in_dim3A_526 = vector.broadcast %jit3A_525 : i32 to vector<128x2048xi32>
    %select_n3A_527 = arith.select %eq3A_524, %iota3A, %broadcast_in_dim3A_526 : vector<128x2048xi1>, vector<128x2048xi32>
    %reduce_sum3A_528 = arith.constant dense<0> : vector<128xi32>
    %reduce_sum3A_529 = vector.multi_reduction <add>, %select_n3A_527, %reduce_sum3A_528 [1] : vector<128x2048xi32> to vector<128xi32>
    %broadcast_in_dim3A_530 = vector.shape_cast %reduce_sum3A_529 : vector<128xi32> to vector<128x1xi32>
    %eq3A_531 = arith.constant 51 : i32
    %eq3A_532 = vector.broadcast %eq3A_531 : i32 to vector<128x2048xi32>
    %eq3A_533 = arith.cmpi eq, %select_n3A, %eq3A_532 : vector<128x2048xi32>
    %jit3A_534 = arith.constant 0 : i32
    %broadcast_in_dim3A_535 = vector.broadcast %jit3A_534 : i32 to vector<128x2048xi32>
    %select_n3A_536 = arith.select %eq3A_533, %iota3A, %broadcast_in_dim3A_535 : vector<128x2048xi1>, vector<128x2048xi32>
    %reduce_sum3A_537 = arith.constant dense<0> : vector<128xi32>
    %reduce_sum3A_538 = vector.multi_reduction <add>, %select_n3A_536, %reduce_sum3A_537 [1] : vector<128x2048xi32> to vector<128xi32>
    %broadcast_in_dim3A_539 = vector.shape_cast %reduce_sum3A_538 : vector<128xi32> to vector<128x1xi32>
    %eq3A_540 = arith.constant 52 : i32
    %eq3A_541 = vector.broadcast %eq3A_540 : i32 to vector<128x2048xi32>
    %eq3A_542 = arith.cmpi eq, %select_n3A, %eq3A_541 : vector<128x2048xi32>
    %jit3A_543 = arith.constant 0 : i32
    %broadcast_in_dim3A_544 = vector.broadcast %jit3A_543 : i32 to vector<128x2048xi32>
    %select_n3A_545 = arith.select %eq3A_542, %iota3A, %broadcast_in_dim3A_544 : vector<128x2048xi1>, vector<128x2048xi32>
    %reduce_sum3A_546 = arith.constant dense<0> : vector<128xi32>
    %reduce_sum3A_547 = vector.multi_reduction <add>, %select_n3A_545, %reduce_sum3A_546 [1] : vector<128x2048xi32> to vector<128xi32>
    %broadcast_in_dim3A_548 = vector.shape_cast %reduce_sum3A_547 : vector<128xi32> to vector<128x1xi32>
    %eq3A_549 = arith.constant 53 : i32
    %eq3A_550 = vector.broadcast %eq3A_549 : i32 to vector<128x2048xi32>
    %eq3A_551 = arith.cmpi eq, %select_n3A, %eq3A_550 : vector<128x2048xi32>
    %jit3A_552 = arith.constant 0 : i32
    %broadcast_in_dim3A_553 = vector.broadcast %jit3A_552 : i32 to vector<128x2048xi32>
    %select_n3A_554 = arith.select %eq3A_551, %iota3A, %broadcast_in_dim3A_553 : vector<128x2048xi1>, vector<128x2048xi32>
    %reduce_sum3A_555 = arith.constant dense<0> : vector<128xi32>
    %reduce_sum3A_556 = vector.multi_reduction <add>, %select_n3A_554, %reduce_sum3A_555 [1] : vector<128x2048xi32> to vector<128xi32>
    %broadcast_in_dim3A_557 = vector.shape_cast %reduce_sum3A_556 : vector<128xi32> to vector<128x1xi32>
    %eq3A_558 = arith.constant 54 : i32
    %eq3A_559 = vector.broadcast %eq3A_558 : i32 to vector<128x2048xi32>
    %eq3A_560 = arith.cmpi eq, %select_n3A, %eq3A_559 : vector<128x2048xi32>
    %jit3A_561 = arith.constant 0 : i32
    %broadcast_in_dim3A_562 = vector.broadcast %jit3A_561 : i32 to vector<128x2048xi32>
    %select_n3A_563 = arith.select %eq3A_560, %iota3A, %broadcast_in_dim3A_562 : vector<128x2048xi1>, vector<128x2048xi32>
    %reduce_sum3A_564 = arith.constant dense<0> : vector<128xi32>
    %reduce_sum3A_565 = vector.multi_reduction <add>, %select_n3A_563, %reduce_sum3A_564 [1] : vector<128x2048xi32> to vector<128xi32>
    %broadcast_in_dim3A_566 = vector.shape_cast %reduce_sum3A_565 : vector<128xi32> to vector<128x1xi32>
    %eq3A_567 = arith.constant 55 : i32
    %eq3A_568 = vector.broadcast %eq3A_567 : i32 to vector<128x2048xi32>
    %eq3A_569 = arith.cmpi eq, %select_n3A, %eq3A_568 : vector<128x2048xi32>
    %jit3A_570 = arith.constant 0 : i32
    %broadcast_in_dim3A_571 = vector.broadcast %jit3A_570 : i32 to vector<128x2048xi32>
    %select_n3A_572 = arith.select %eq3A_569, %iota3A, %broadcast_in_dim3A_571 : vector<128x2048xi1>, vector<128x2048xi32>
    %reduce_sum3A_573 = arith.constant dense<0> : vector<128xi32>
    %reduce_sum3A_574 = vector.multi_reduction <add>, %select_n3A_572, %reduce_sum3A_573 [1] : vector<128x2048xi32> to vector<128xi32>
    %broadcast_in_dim3A_575 = vector.shape_cast %reduce_sum3A_574 : vector<128xi32> to vector<128x1xi32>
    %eq3A_576 = arith.constant 56 : i32
    %eq3A_577 = vector.broadcast %eq3A_576 : i32 to vector<128x2048xi32>
    %eq3A_578 = arith.cmpi eq, %select_n3A, %eq3A_577 : vector<128x2048xi32>
    %jit3A_579 = arith.constant 0 : i32
    %broadcast_in_dim3A_580 = vector.broadcast %jit3A_579 : i32 to vector<128x2048xi32>
    %select_n3A_581 = arith.select %eq3A_578, %iota3A, %broadcast_in_dim3A_580 : vector<128x2048xi1>, vector<128x2048xi32>
    %reduce_sum3A_582 = arith.constant dense<0> : vector<128xi32>
    %reduce_sum3A_583 = vector.multi_reduction <add>, %select_n3A_581, %reduce_sum3A_582 [1] : vector<128x2048xi32> to vector<128xi32>
    %broadcast_in_dim3A_584 = vector.shape_cast %reduce_sum3A_583 : vector<128xi32> to vector<128x1xi32>
    %eq3A_585 = arith.constant 57 : i32
    %eq3A_586 = vector.broadcast %eq3A_585 : i32 to vector<128x2048xi32>
    %eq3A_587 = arith.cmpi eq, %select_n3A, %eq3A_586 : vector<128x2048xi32>
    %jit3A_588 = arith.constant 0 : i32
    %broadcast_in_dim3A_589 = vector.broadcast %jit3A_588 : i32 to vector<128x2048xi32>
    %select_n3A_590 = arith.select %eq3A_587, %iota3A, %broadcast_in_dim3A_589 : vector<128x2048xi1>, vector<128x2048xi32>
    %reduce_sum3A_591 = arith.constant dense<0> : vector<128xi32>
    %reduce_sum3A_592 = vector.multi_reduction <add>, %select_n3A_590, %reduce_sum3A_591 [1] : vector<128x2048xi32> to vector<128xi32>
    %broadcast_in_dim3A_593 = vector.shape_cast %reduce_sum3A_592 : vector<128xi32> to vector<128x1xi32>
    %eq3A_594 = arith.constant 58 : i32
    %eq3A_595 = vector.broadcast %eq3A_594 : i32 to vector<128x2048xi32>
    %eq3A_596 = arith.cmpi eq, %select_n3A, %eq3A_595 : vector<128x2048xi32>
    %jit3A_597 = arith.constant 0 : i32
    %broadcast_in_dim3A_598 = vector.broadcast %jit3A_597 : i32 to vector<128x2048xi32>
    %select_n3A_599 = arith.select %eq3A_596, %iota3A, %broadcast_in_dim3A_598 : vector<128x2048xi1>, vector<128x2048xi32>
    %reduce_sum3A_600 = arith.constant dense<0> : vector<128xi32>
    %reduce_sum3A_601 = vector.multi_reduction <add>, %select_n3A_599, %reduce_sum3A_600 [1] : vector<128x2048xi32> to vector<128xi32>
    %broadcast_in_dim3A_602 = vector.shape_cast %reduce_sum3A_601 : vector<128xi32> to vector<128x1xi32>
    %eq3A_603 = arith.constant 59 : i32
    %eq3A_604 = vector.broadcast %eq3A_603 : i32 to vector<128x2048xi32>
    %eq3A_605 = arith.cmpi eq, %select_n3A, %eq3A_604 : vector<128x2048xi32>
    %jit3A_606 = arith.constant 0 : i32
    %broadcast_in_dim3A_607 = vector.broadcast %jit3A_606 : i32 to vector<128x2048xi32>
    %select_n3A_608 = arith.select %eq3A_605, %iota3A, %broadcast_in_dim3A_607 : vector<128x2048xi1>, vector<128x2048xi32>
    %reduce_sum3A_609 = arith.constant dense<0> : vector<128xi32>
    %reduce_sum3A_610 = vector.multi_reduction <add>, %select_n3A_608, %reduce_sum3A_609 [1] : vector<128x2048xi32> to vector<128xi32>
    %broadcast_in_dim3A_611 = vector.shape_cast %reduce_sum3A_610 : vector<128xi32> to vector<128x1xi32>
    %eq3A_612 = arith.constant 60 : i32
    %eq3A_613 = vector.broadcast %eq3A_612 : i32 to vector<128x2048xi32>
    %eq3A_614 = arith.cmpi eq, %select_n3A, %eq3A_613 : vector<128x2048xi32>
    %jit3A_615 = arith.constant 0 : i32
    %broadcast_in_dim3A_616 = vector.broadcast %jit3A_615 : i32 to vector<128x2048xi32>
    %select_n3A_617 = arith.select %eq3A_614, %iota3A, %broadcast_in_dim3A_616 : vector<128x2048xi1>, vector<128x2048xi32>
    %reduce_sum3A_618 = arith.constant dense<0> : vector<128xi32>
    %reduce_sum3A_619 = vector.multi_reduction <add>, %select_n3A_617, %reduce_sum3A_618 [1] : vector<128x2048xi32> to vector<128xi32>
    %broadcast_in_dim3A_620 = vector.shape_cast %reduce_sum3A_619 : vector<128xi32> to vector<128x1xi32>
    %eq3A_621 = arith.constant 61 : i32
    %eq3A_622 = vector.broadcast %eq3A_621 : i32 to vector<128x2048xi32>
    %eq3A_623 = arith.cmpi eq, %select_n3A, %eq3A_622 : vector<128x2048xi32>
    %jit3A_624 = arith.constant 0 : i32
    %broadcast_in_dim3A_625 = vector.broadcast %jit3A_624 : i32 to vector<128x2048xi32>
    %select_n3A_626 = arith.select %eq3A_623, %iota3A, %broadcast_in_dim3A_625 : vector<128x2048xi1>, vector<128x2048xi32>
    %reduce_sum3A_627 = arith.constant dense<0> : vector<128xi32>
    %reduce_sum3A_628 = vector.multi_reduction <add>, %select_n3A_626, %reduce_sum3A_627 [1] : vector<128x2048xi32> to vector<128xi32>
    %broadcast_in_dim3A_629 = vector.shape_cast %reduce_sum3A_628 : vector<128xi32> to vector<128x1xi32>
    %eq3A_630 = arith.constant 62 : i32
    %eq3A_631 = vector.broadcast %eq3A_630 : i32 to vector<128x2048xi32>
    %eq3A_632 = arith.cmpi eq, %select_n3A, %eq3A_631 : vector<128x2048xi32>
    %jit3A_633 = arith.constant 0 : i32
    %broadcast_in_dim3A_634 = vector.broadcast %jit3A_633 : i32 to vector<128x2048xi32>
    %select_n3A_635 = arith.select %eq3A_632, %iota3A, %broadcast_in_dim3A_634 : vector<128x2048xi1>, vector<128x2048xi32>
    %reduce_sum3A_636 = arith.constant dense<0> : vector<128xi32>
    %reduce_sum3A_637 = vector.multi_reduction <add>, %select_n3A_635, %reduce_sum3A_636 [1] : vector<128x2048xi32> to vector<128xi32>
    %broadcast_in_dim3A_638 = vector.shape_cast %reduce_sum3A_637 : vector<128xi32> to vector<128x1xi32>
    %eq3A_639 = arith.constant 63 : i32
    %eq3A_640 = vector.broadcast %eq3A_639 : i32 to vector<128x2048xi32>
    %eq3A_641 = arith.cmpi eq, %select_n3A, %eq3A_640 : vector<128x2048xi32>
    %jit3A_642 = arith.constant 0 : i32
    %broadcast_in_dim3A_643 = vector.broadcast %jit3A_642 : i32 to vector<128x2048xi32>
    %select_n3A_644 = arith.select %eq3A_641, %iota3A, %broadcast_in_dim3A_643 : vector<128x2048xi1>, vector<128x2048xi32>
    %reduce_sum3A_645 = arith.constant dense<0> : vector<128xi32>
    %reduce_sum3A_646 = vector.multi_reduction <add>, %select_n3A_644, %reduce_sum3A_645 [1] : vector<128x2048xi32> to vector<128xi32>
    %broadcast_in_dim3A_647 = vector.shape_cast %reduce_sum3A_646 : vector<128xi32> to vector<128x1xi32>
    %eq3A_648 = arith.constant 64 : i32
    %eq3A_649 = vector.broadcast %eq3A_648 : i32 to vector<128x2048xi32>
    %eq3A_650 = arith.cmpi eq, %select_n3A, %eq3A_649 : vector<128x2048xi32>
    %jit3A_651 = arith.constant 0 : i32
    %broadcast_in_dim3A_652 = vector.broadcast %jit3A_651 : i32 to vector<128x2048xi32>
    %select_n3A_653 = arith.select %eq3A_650, %iota3A, %broadcast_in_dim3A_652 : vector<128x2048xi1>, vector<128x2048xi32>
    %reduce_sum3A_654 = arith.constant dense<0> : vector<128xi32>
    %reduce_sum3A_655 = vector.multi_reduction <add>, %select_n3A_653, %reduce_sum3A_654 [1] : vector<128x2048xi32> to vector<128xi32>
    %broadcast_in_dim3A_656 = vector.shape_cast %reduce_sum3A_655 : vector<128xi32> to vector<128x1xi32>
    %iota3A_657 = tpu.iota {dimensions = array<i32: 1>} : vector<128x64xi32>
    %concatenate3A_658 = tpu.concatenate %broadcast_in_dim3A_89, %broadcast_in_dim3A_98, %broadcast_in_dim3A_107, %broadcast_in_dim3A_116, %broadcast_in_dim3A_125, %broadcast_in_dim3A_134, %broadcast_in_dim3A_143, %broadcast_in_dim3A_152, %broadcast_in_dim3A_161, %broadcast_in_dim3A_170, %broadcast_in_dim3A_179, %broadcast_in_dim3A_188, %broadcast_in_dim3A_197, %broadcast_in_dim3A_206, %broadcast_in_dim3A_215, %broadcast_in_dim3A_224, %broadcast_in_dim3A_233, %broadcast_in_dim3A_242, %broadcast_in_dim3A_251, %broadcast_in_dim3A_260, %broadcast_in_dim3A_269, %broadcast_in_dim3A_278, %broadcast_in_dim3A_287, %broadcast_in_dim3A_296, %broadcast_in_dim3A_305, %broadcast_in_dim3A_314, %broadcast_in_dim3A_323, %broadcast_in_dim3A_332, %broadcast_in_dim3A_341, %broadcast_in_dim3A_350, %broadcast_in_dim3A_359, %broadcast_in_dim3A_368, %broadcast_in_dim3A_377, %broadcast_in_dim3A_386, %broadcast_in_dim3A_395, %broadcast_in_dim3A_404, %broadcast_in_dim3A_413, %broadcast_in_dim3A_422, %broadcast_in_dim3A_431, %broadcast_in_dim3A_440, %broadcast_in_dim3A_449, %broadcast_in_dim3A_458, %broadcast_in_dim3A_467, %broadcast_in_dim3A_476, %broadcast_in_dim3A_485, %broadcast_in_dim3A_494, %broadcast_in_dim3A_503, %broadcast_in_dim3A_512, %broadcast_in_dim3A_521, %broadcast_in_dim3A_530, %broadcast_in_dim3A_539, %broadcast_in_dim3A_548, %broadcast_in_dim3A_557, %broadcast_in_dim3A_566, %broadcast_in_dim3A_575, %broadcast_in_dim3A_584, %broadcast_in_dim3A_593, %broadcast_in_dim3A_602, %broadcast_in_dim3A_611, %broadcast_in_dim3A_620, %broadcast_in_dim3A_629, %broadcast_in_dim3A_638, %broadcast_in_dim3A_647, %broadcast_in_dim3A_656 in 1 : vector<128x1xi32>, vector<128x1xi32>, vector<128x1xi32>, vector<128x1xi32>, vector<128x1xi32>, vector<128x1xi32>, vector<128x1xi32>, vector<128x1xi32>, vector<128x1xi32>, vector<128x1xi32>, vector<128x1xi32>, vector<128x1xi32>, vector<128x1xi32>, vector<128x1xi32>, vector<128x1xi32>, vector<128x1xi32>, vector<128x1xi32>, vector<128x1xi32>, vector<128x1xi32>, vector<128x1xi32>, vector<128x1xi32>, vector<128x1xi32>, vector<128x1xi32>, vector<128x1xi32>, vector<128x1xi32>, vector<128x1xi32>, vector<128x1xi32>, vector<128x1xi32>, vector<128x1xi32>, vector<128x1xi32>, vector<128x1xi32>, vector<128x1xi32>, vector<128x1xi32>, vector<128x1xi32>, vector<128x1xi32>, vector<128x1xi32>, vector<128x1xi32>, vector<128x1xi32>, vector<128x1xi32>, vector<128x1xi32>, vector<128x1xi32>, vector<128x1xi32>, vector<128x1xi32>, vector<128x1xi32>, vector<128x1xi32>, vector<128x1xi32>, vector<128x1xi32>, vector<128x1xi32>, vector<128x1xi32>, vector<128x1xi32>, vector<128x1xi32>, vector<128x1xi32>, vector<128x1xi32>, vector<128x1xi32>, vector<128x1xi32>, vector<128x1xi32>, vector<128x1xi32>, vector<128x1xi32>, vector<128x1xi32>, vector<128x1xi32>, vector<128x1xi32>, vector<128x1xi32>, vector<128x1xi32>, vector<128x1xi32> -> vector<128x64xi32>
    %lt3A = vector.broadcast %slice3A_77 : vector<128x1xi32> to vector<128x64xi32>
    %lt3A_659 = arith.cmpi slt, %iota3A_657, %lt3A : vector<128x64xi32>
    %broadcast_in_dim3A_660 = vector.shape_cast %broadcast_in_dim3A_89 : vector<128x1xi32> to vector<128x1xi32>
    %broadcast_in_dim3A_661 = vector.broadcast %broadcast_in_dim3A_660 : vector<128x1xi32> to vector<128x64xi32>
    %select_n3A_662 = arith.select %lt3A_659, %concatenate3A_658, %broadcast_in_dim3A_661 : vector<128x64xi1>, vector<128x64xi32>
    %eq3A_663 = arith.constant 0 : i32
    %eq3A_664 = vector.broadcast %eq3A_663 : i32 to vector<128x1xi32>
    %eq3A_665 = arith.cmpi eq, %slice3A_77, %eq3A_664 : vector<128x1xi32>
    %jit3A_666 = arith.constant 2047 : i32
    %broadcast_in_dim3A_667 = vector.shape_cast %eq3A_665 : vector<128x1xi1> to vector<128x1xi1>
    %broadcast_in_dim3A_668 = vector.broadcast %broadcast_in_dim3A_667 : vector<128x1xi1> to vector<128x64xi1>
    %broadcast_in_dim3A_669 = vector.broadcast %jit3A_666 : i32 to vector<128x64xi32>
    %select_n3A_670 = arith.select %broadcast_in_dim3A_668, %broadcast_in_dim3A_669, %select_n3A_662 : vector<128x64xi1>, vector<128x64xi32>
    %mul3A_671 = arith.constant 2048 : i32
    %mul3A_672 = arith.muli %arg0, %mul3A_671 : i32
    %add3A_673 = vector.broadcast %mul3A_672 : i32 to vector<128x64xi32>
    %add3A_674 = arith.addi %select_n3A_670, %add3A_673 : vector<128x64xi32>
    %swap3A = arith.constant 0 : index
    %swap3A_675 = arith.constant 0 : index
    %swap3A_676 = arith.constant 0 : index
    %swap3A_677 = vector.load %arg3[%swap3A, %swap3A_675, %swap3A_676] : memref<1x128x64xi32, #tpu.memory_space<vmem>>, vector<1x128x64xi32>
    %swap3A_678 = vector.shape_cast %swap3A_677 : vector<1x128x64xi32> to vector<128x64xi32>
    %swap3A_679 = vector.shape_cast %add3A_674 : vector<128x64xi32> to vector<1x128x64xi32>
    tpu.vector_store %arg3[%swap3A, %swap3A_675, %swap3A_676], %swap3A_679 {strides = array<i32>} : memref<1x128x64xi32, #tpu.memory_space<vmem>>, vector<1x128x64xi32>,
    return
  }
  func.func @transform_0(%arg0: i32) -> (i32, i32, i32) {
    %c0_i32 = arith.constant 0 : i32
    %c0_i32_0 = arith.constant 0 : i32
    %c0_i32_1 = arith.constant 0 : i32
    return %arg0, %c0_i32, %c0_i32_0 : i32, i32, i32
  }
  func.func @transform_1(%arg0: i32) -> (i32, i32, i32) {
    %c0_i32 = arith.constant 0 : i32
    %c0_i32_0 = arith.constant 0 : i32
    %c0_i32_1 = arith.constant 0 : i32
    return %arg0, %c0_i32, %c0_i32_0 : i32, i32, i32
  }
  func.func @transform_2(%arg0: i32) -> (i32, i32, i32) {
    %c0_i32 = arith.constant 0 : i32
    %c0_i32_0 = arith.constant 0 : i32
    %c0_i32_1 = arith.constant 0 : i32
    return %arg0, %c0_i32, %c0_i32_0 : i32, i32, i32
  }
}

module attributes {stable_mosaic.version = 14 : i64} {
  func.func @_pre_mlp_body(%arg0: i32, %arg1: memref<4096x6xf32, #tpu.memory_space<vmem>>, %arg2: memref<6x64xf32, #tpu.memory_space<vmem>>, %arg3: memref<64x64xf32, #tpu.memory_space<vmem>>, %arg4: memref<64x128xf32, #tpu.memory_space<vmem>>, %arg5: memref<4096x128xi32, #tpu.memory_space<vmem>>) attributes {dimension_semantics = [#tpu.dimension_semantics<arbitrary>], iteration_bounds = array<i64: 8>, scalar_prefetch = 0 : i64, scratch_operands = 0 : i64, tpu.core_type = #tpu.core_type<tc>, window_params = [{transform_indices = @transform_0, window_bounds = array<i64: 4096, 6>}, {pipeline_mode = #tpu.pipeline_mode<synchronous>, transform_indices = @transform_1, window_bounds = array<i64: 6, 64>}, {pipeline_mode = #tpu.pipeline_mode<synchronous>, transform_indices = @transform_2, window_bounds = array<i64: 64, 64>}, {pipeline_mode = #tpu.pipeline_mode<synchronous>, transform_indices = @transform_3, window_bounds = array<i64: 64, 128>}, {transform_indices = @transform_4, window_bounds = array<i64: 4096, 128>}]} {
    %get3A = arith.constant 0 : index
    %get3A_0 = arith.constant 0 : index
    %get3A_1 = vector.load %arg1[%get3A, %get3A_0] : memref<4096x6xf32, #tpu.memory_space<vmem>>, vector<4096x6xf32>
    %get3A_2 = arith.constant 0 : index
    %get3A_3 = arith.constant 0 : index
    %get3A_4 = vector.load %arg2[%get3A_2, %get3A_3] : memref<6x64xf32, #tpu.memory_space<vmem>>, vector<6x64xf32>
    %convert_element_type3A = arith.truncf %get3A_1 : vector<4096x6xf32> to vector<4096x6xbf16>
    %convert_element_type3A_5 = arith.truncf %get3A_4 : vector<6x64xf32> to vector<6x64xbf16>
    %dot_general3A = arith.constant dense<0.000000e+00> : vector<4096x64xf32>
    %dot_general3A_6 = tpu.matmul %convert_element_type3A, %convert_element_type3A_5, %dot_general3A {dimension_numbers = #tpu.dot_dimension_numbers<[1], [0], [0], [1], [0, 0, 1, 1], [], []>, transpose_lhs_hint = false} : vector<4096x6xbf16>, vector<6x64xbf16>, vector<4096x64xf32> -> vector<4096x64xf32>
    %mul3A = arith.constant 0.999994993 : f32
    %mul3A_7 = vector.broadcast %mul3A : f32 to vector<4096x64xf32>
    %mul3A_8 = arith.mulf %dot_general3A_6, %mul3A_7 : vector<4096x64xf32>
    %max3A = arith.constant 0.000000e+00 : f32
    %max3A_9 = vector.broadcast %max3A : f32 to vector<4096x64xf32>
    %max3A_10 = arith.maximumf %mul3A_8, %max3A_9 : vector<4096x64xf32>
    %get3A_11 = arith.constant 0 : index
    %get3A_12 = arith.constant 0 : index
    %get3A_13 = vector.load %arg3[%get3A_11, %get3A_12] : memref<64x64xf32, #tpu.memory_space<vmem>>, vector<64x64xf32>
    %convert_element_type3A_14 = arith.truncf %max3A_10 : vector<4096x64xf32> to vector<4096x64xbf16>
    %convert_element_type3A_15 = arith.truncf %get3A_13 : vector<64x64xf32> to vector<64x64xbf16>
    %dot_general3A_16 = arith.constant dense<0.000000e+00> : vector<4096x64xf32>
    %dot_general3A_17 = tpu.matmul %convert_element_type3A_14, %convert_element_type3A_15, %dot_general3A_16 {dimension_numbers = #tpu.dot_dimension_numbers<[1], [0], [0], [1], [0, 0, 1, 1], [], []>, transpose_lhs_hint = false} : vector<4096x64xbf16>, vector<64x64xbf16>, vector<4096x64xf32> -> vector<4096x64xf32>
    %mul3A_18 = arith.constant 0.999994993 : f32
    %mul3A_19 = vector.broadcast %mul3A_18 : f32 to vector<4096x64xf32>
    %mul3A_20 = arith.mulf %dot_general3A_17, %mul3A_19 : vector<4096x64xf32>
    %max3A_21 = arith.constant 0.000000e+00 : f32
    %max3A_22 = vector.broadcast %max3A_21 : f32 to vector<4096x64xf32>
    %max3A_23 = arith.maximumf %mul3A_20, %max3A_22 : vector<4096x64xf32>
    %get3A_24 = arith.constant 0 : index
    %get3A_25 = arith.constant 0 : index
    %get3A_26 = vector.load %arg4[%get3A_24, %get3A_25] : memref<64x128xf32, #tpu.memory_space<vmem>>, vector<64x128xf32>
    %convert_element_type3A_27 = arith.truncf %max3A_23 : vector<4096x64xf32> to vector<4096x64xbf16>
    %convert_element_type3A_28 = arith.truncf %get3A_26 : vector<64x128xf32> to vector<64x128xbf16>
    %dot_general3A_29 = arith.constant dense<0.000000e+00> : vector<4096x128xf32>
    %dot_general3A_30 = tpu.matmul %convert_element_type3A_27, %convert_element_type3A_28, %dot_general3A_29 {dimension_numbers = #tpu.dot_dimension_numbers<[1], [0], [0], [1], [0, 0, 1, 1], [], []>, transpose_lhs_hint = false} : vector<4096x64xbf16>, vector<64x128xbf16>, vector<4096x128xf32> -> vector<4096x128xf32>
    %mul3A_31 = arith.constant 0.999994993 : f32
    %mul3A_32 = vector.broadcast %mul3A_31 : f32 to vector<4096x128xf32>
    %mul3A_33 = arith.mulf %dot_general3A_30, %mul3A_32 : vector<4096x128xf32>
    %max3A_34 = arith.constant 0.000000e+00 : f32
    %max3A_35 = vector.broadcast %max3A_34 : f32 to vector<4096x128xf32>
    %max3A_36 = arith.maximumf %mul3A_33, %max3A_35 : vector<4096x128xf32>
    %convert_element_type3A_37 = arith.truncf %max3A_36 : vector<4096x128xf32> to vector<4096x128xbf16>
    %bitcast_convert_type3A = tpu.bitcast %convert_element_type3A_37 : vector<4096x128xbf16> -> vector<4096x128xi16>
    %slice3A = vector.extract_strided_slice %bitcast_convert_type3A {offsets = [0, 0], sizes = [4096, 64], strides = [1, 1]} : vector<4096x128xi16> to vector<4096x64xi16>
    %convert_element_type3A_38 = arith.extui %slice3A : vector<4096x64xi16> to vector<4096x64xi32>
    %slice3A_39 = vector.extract_strided_slice %bitcast_convert_type3A {offsets = [0, 64], sizes = [4096, 64], strides = [1, 1]} : vector<4096x128xi16> to vector<4096x64xi16>
    %convert_element_type3A_40 = arith.extui %slice3A_39 : vector<4096x64xi16> to vector<4096x64xi32>
    %shift_left3A = arith.constant 16 : i32
    %shift_left3A_41 = vector.broadcast %shift_left3A : i32 to vector<4096x64xi32>
    %shift_left3A_42 = arith.shli %convert_element_type3A_40, %shift_left3A_41 : vector<4096x64xi32>
    %or3A = arith.ori %shift_left3A_42, %convert_element_type3A_38 : vector<4096x64xi32>
    %bitcast_convert_type3A_43 = tpu.bitcast %or3A : vector<4096x64xi32> -> vector<4096x64xi32>
    %slice3A_44 = vector.extract_strided_slice %get3A_1 {offsets = [0, 0], sizes = [4096, 3], strides = [1, 1]} : vector<4096x6xf32> to vector<4096x3xf32>
    %bitcast_convert_type3A_45 = tpu.bitcast %slice3A_44 : vector<4096x3xf32> -> vector<4096x3xi32>
    %broadcast_in_dim3A = arith.constant 0 : i32
    %broadcast_in_dim3A_46 = vector.broadcast %broadcast_in_dim3A : i32 to vector<4096x61xi32>
    %concatenate3A = tpu.concatenate %bitcast_convert_type3A_45, %bitcast_convert_type3A_43, %broadcast_in_dim3A_46 in 1 : vector<4096x3xi32>, vector<4096x64xi32>, vector<4096x61xi32> -> vector<4096x128xi32>
    %swap3A = arith.constant 0 : index
    %swap3A_47 = arith.constant 0 : index
    %swap3A_48 = vector.load %arg5[%swap3A, %swap3A_47] : memref<4096x128xi32, #tpu.memory_space<vmem>>, vector<4096x128xi32>
    tpu.vector_store %arg5[%swap3A, %swap3A_47], %concatenate3A {strides = array<i32>} : memref<4096x128xi32, #tpu.memory_space<vmem>>, vector<4096x128xi32>,
    return
  }
  func.func @transform_0(%arg0: i32) -> (i32, i32) {
    %c0_i32 = arith.constant 0 : i32
    %c0_i32_0 = arith.constant 0 : i32
    return %arg0, %c0_i32 : i32, i32
  }
  func.func @transform_1(%arg0: i32) -> (i32, i32) {
    %c0_i32 = arith.constant 0 : i32
    %c0_i32_0 = arith.constant 0 : i32
    %c0_i32_1 = arith.constant 0 : i32
    return %c0_i32, %c0_i32_0 : i32, i32
  }
  func.func @transform_2(%arg0: i32) -> (i32, i32) {
    %c0_i32 = arith.constant 0 : i32
    %c0_i32_0 = arith.constant 0 : i32
    %c0_i32_1 = arith.constant 0 : i32
    return %c0_i32, %c0_i32_0 : i32, i32
  }
  func.func @transform_3(%arg0: i32) -> (i32, i32) {
    %c0_i32 = arith.constant 0 : i32
    %c0_i32_0 = arith.constant 0 : i32
    %c0_i32_1 = arith.constant 0 : i32
    return %c0_i32, %c0_i32_0 : i32, i32
  }
  func.func @transform_4(%arg0: i32) -> (i32, i32) {
    %c0_i32 = arith.constant 0 : i32
    %c0_i32_0 = arith.constant 0 : i32
    return %arg0, %c0_i32 : i32, i32
  }
}

module attributes {stable_mosaic.version = 14 : i64} {
  func.func @_sa2_body(%arg0: i32, %arg1: memref<128x64x128xi32, #tpu.memory_space<vmem>>, %arg2: memref<128x3xf32, #tpu.memory_space<vmem>>, %arg3: memref<131x128xf32, #tpu.memory_space<vmem>>, %arg4: memref<128x128xf32, #tpu.memory_space<vmem>>, %arg5: memref<128x256xf32, #tpu.memory_space<vmem>>, %arg6: memref<128x256xf32, #tpu.memory_space<vmem>>) attributes {dimension_semantics = [#tpu.dimension_semantics<arbitrary>], iteration_bounds = array<i64: 16>, scalar_prefetch = 0 : i64, scratch_operands = 0 : i64, tpu.core_type = #tpu.core_type<tc>, window_params = [{transform_indices = @transform_0, window_bounds = array<i64: 128, 64, 128>}, {transform_indices = @transform_1, window_bounds = array<i64: 128, 3>}, {pipeline_mode = #tpu.pipeline_mode<synchronous>, transform_indices = @transform_2, window_bounds = array<i64: 131, 128>}, {pipeline_mode = #tpu.pipeline_mode<synchronous>, transform_indices = @transform_3, window_bounds = array<i64: 128, 128>}, {pipeline_mode = #tpu.pipeline_mode<synchronous>, transform_indices = @transform_4, window_bounds = array<i64: 128, 256>}, {transform_indices = @transform_5, window_bounds = array<i64: 128, 256>}]} {
    %get3A = arith.constant 0 : index
    %get3A_0 = arith.constant 0 : index
    %get3A_1 = arith.constant 0 : index
    %get3A_2 = vector.load %arg1[%get3A, %get3A_0, %get3A_1] : memref<128x64x128xi32, #tpu.memory_space<vmem>>, vector<128x64x128xi32>
    %slice3A = vector.extract_strided_slice %get3A_2 {offsets = [0, 0, 0], sizes = [128, 64, 3], strides = [1, 1, 1]} : vector<128x64x128xi32> to vector<128x64x3xi32>
    %bitcast_convert_type3A = tpu.bitcast %slice3A : vector<128x64x3xi32> -> vector<128x64x3xf32>
    %slice3A_3 = vector.extract_strided_slice %get3A_2 {offsets = [0, 0, 3], sizes = [128, 64, 64], strides = [1, 1, 1]} : vector<128x64x128xi32> to vector<128x64x64xi32>
    %bitcast_convert_type3A_4 = tpu.bitcast %slice3A_3 : vector<128x64x64xi32> -> vector<128x64x64xi32>
    %shift_left3A = arith.constant 16 : i32
    %shift_left3A_5 = vector.broadcast %shift_left3A : i32 to vector<128x64x64xi32>
    %shift_left3A_6 = arith.shli %bitcast_convert_type3A_4, %shift_left3A_5 : vector<128x64x64xi32>
    %bitcast_convert_type3A_7 = tpu.bitcast %shift_left3A_6 : vector<128x64x64xi32> -> vector<128x64x64xf32>
    %and3A = arith.constant -65536 : i32
    %and3A_8 = vector.broadcast %and3A : i32 to vector<128x64x64xi32>
    %and3A_9 = arith.andi %bitcast_convert_type3A_4, %and3A_8 : vector<128x64x64xi32>
    %bitcast_convert_type3A_10 = tpu.bitcast %and3A_9 : vector<128x64x64xi32> -> vector<128x64x64xf32>
    %concatenate3A = tpu.concatenate %bitcast_convert_type3A_7, %bitcast_convert_type3A_10 in 2 : vector<128x64x64xf32>, vector<128x64x64xf32> -> vector<128x64x128xf32>
    %get3A_11 = arith.constant 0 : index
    %get3A_12 = arith.constant 0 : index
    %get3A_13 = vector.load %arg2[%get3A_11, %get3A_12] : memref<128x3xf32, #tpu.memory_space<vmem>>, vector<128x3xf32>
    %broadcast_in_dim3A = vector.shape_cast %get3A_13 : vector<128x3xf32> to vector<128x1x3xf32>
    %sub3A = vector.broadcast %broadcast_in_dim3A : vector<128x1x3xf32> to vector<128x64x3xf32>
    %sub3A_14 = arith.subf %bitcast_convert_type3A, %sub3A : vector<128x64x3xf32>
    %reshape3A = vector.shape_cast %sub3A_14 : vector<128x64x3xf32> to vector<8192x3xf32>
    %reshape3A_15 = vector.shape_cast %concatenate3A : vector<128x64x128xf32> to vector<8192x128xf32>
    %concatenate3A_16 = tpu.concatenate %reshape3A, %reshape3A_15 in 1 : vector<8192x3xf32>, vector<8192x128xf32> -> vector<8192x131xf32>
    %get3A_17 = arith.constant 0 : index
    %get3A_18 = arith.constant 0 : index
    %get3A_19 = vector.load %arg3[%get3A_17, %get3A_18] : memref<131x128xf32, #tpu.memory_space<vmem>>, vector<131x128xf32>
    %convert_element_type3A = arith.truncf %concatenate3A_16 : vector<8192x131xf32> to vector<8192x131xbf16>
    %convert_element_type3A_20 = arith.truncf %get3A_19 : vector<131x128xf32> to vector<131x128xbf16>
    %dot_general3A = arith.constant dense<0.000000e+00> : vector<8192x128xf32>
    %dot_general3A_21 = tpu.matmul %convert_element_type3A, %convert_element_type3A_20, %dot_general3A {dimension_numbers = #tpu.dot_dimension_numbers<[1], [0], [0], [1], [0, 0, 1, 1], [], []>, transpose_lhs_hint = false} : vector<8192x131xbf16>, vector<131x128xbf16>, vector<8192x128xf32> -> vector<8192x128xf32>
    %mul3A = arith.constant 0.999994993 : f32
    %mul3A_22 = vector.broadcast %mul3A : f32 to vector<8192x128xf32>
    %mul3A_23 = arith.mulf %dot_general3A_21, %mul3A_22 : vector<8192x128xf32>
    %max3A = arith.constant 0.000000e+00 : f32
    %max3A_24 = vector.broadcast %max3A : f32 to vector<8192x128xf32>
    %max3A_25 = arith.maximumf %mul3A_23, %max3A_24 : vector<8192x128xf32>
    %get3A_26 = arith.constant 0 : index
    %get3A_27 = arith.constant 0 : index
    %get3A_28 = vector.load %arg4[%get3A_26, %get3A_27] : memref<128x128xf32, #tpu.memory_space<vmem>>, vector<128x128xf32>
    %convert_element_type3A_29 = arith.truncf %max3A_25 : vector<8192x128xf32> to vector<8192x128xbf16>
    %convert_element_type3A_30 = arith.truncf %get3A_28 : vector<128x128xf32> to vector<128x128xbf16>
    %dot_general3A_31 = arith.constant dense<0.000000e+00> : vector<8192x128xf32>
    %dot_general3A_32 = tpu.matmul %convert_element_type3A_29, %convert_element_type3A_30, %dot_general3A_31 {dimension_numbers = #tpu.dot_dimension_numbers<[1], [0], [0], [1], [0, 0, 1, 1], [], []>, transpose_lhs_hint = false} : vector<8192x128xbf16>, vector<128x128xbf16>, vector<8192x128xf32> -> vector<8192x128xf32>
    %mul3A_33 = arith.constant 0.999994993 : f32
    %mul3A_34 = vector.broadcast %mul3A_33 : f32 to vector<8192x128xf32>
    %mul3A_35 = arith.mulf %dot_general3A_32, %mul3A_34 : vector<8192x128xf32>
    %max3A_36 = arith.constant 0.000000e+00 : f32
    %max3A_37 = vector.broadcast %max3A_36 : f32 to vector<8192x128xf32>
    %max3A_38 = arith.maximumf %mul3A_35, %max3A_37 : vector<8192x128xf32>
    %get3A_39 = arith.constant 0 : index
    %get3A_40 = arith.constant 0 : index
    %get3A_41 = vector.load %arg5[%get3A_39, %get3A_40] : memref<128x256xf32, #tpu.memory_space<vmem>>, vector<128x256xf32>
    %convert_element_type3A_42 = arith.truncf %max3A_38 : vector<8192x128xf32> to vector<8192x128xbf16>
    %convert_element_type3A_43 = arith.truncf %get3A_41 : vector<128x256xf32> to vector<128x256xbf16>
    %dot_general3A_44 = arith.constant dense<0.000000e+00> : vector<8192x256xf32>
    %dot_general3A_45 = tpu.matmul %convert_element_type3A_42, %convert_element_type3A_43, %dot_general3A_44 {dimension_numbers = #tpu.dot_dimension_numbers<[1], [0], [0], [1], [0, 0, 1, 1], [], []>, transpose_lhs_hint = false} : vector<8192x128xbf16>, vector<128x256xbf16>, vector<8192x256xf32> -> vector<8192x256xf32>
    %mul3A_46 = arith.constant 0.999994993 : f32
    %mul3A_47 = vector.broadcast %mul3A_46 : f32 to vector<8192x256xf32>
    %mul3A_48 = arith.mulf %dot_general3A_45, %mul3A_47 : vector<8192x256xf32>
    %max3A_49 = arith.constant 0.000000e+00 : f32
    %max3A_50 = vector.broadcast %max3A_49 : f32 to vector<8192x256xf32>
    %max3A_51 = arith.maximumf %mul3A_48, %max3A_50 : vector<8192x256xf32>
    %reshape3A_52 = vector.shape_cast %max3A_51 : vector<8192x256xf32> to vector<128x64x256xf32>
    %reduce_max3A = arith.constant dense<0xFF800000> : vector<128x256xf32>
    %reduce_max3A_53 = vector.multi_reduction <maximumf>, %reshape3A_52, %reduce_max3A [1] : vector<128x64x256xf32> to vector<128x256xf32>
    %swap3A = arith.constant 0 : index
    %swap3A_54 = arith.constant 0 : index
    %swap3A_55 = vector.load %arg6[%swap3A, %swap3A_54] : memref<128x256xf32, #tpu.memory_space<vmem>>, vector<128x256xf32>
    tpu.vector_store %arg6[%swap3A, %swap3A_54], %reduce_max3A_53 {strides = array<i32>} : memref<128x256xf32, #tpu.memory_space<vmem>>, vector<128x256xf32>,
    return
  }
  func.func @transform_0(%arg0: i32) -> (i32, i32, i32) {
    %c0_i32 = arith.constant 0 : i32
    %c0_i32_0 = arith.constant 0 : i32
    %c0_i32_1 = arith.constant 0 : i32
    return %arg0, %c0_i32, %c0_i32_0 : i32, i32, i32
  }
  func.func @transform_1(%arg0: i32) -> (i32, i32) {
    %c0_i32 = arith.constant 0 : i32
    %c0_i32_0 = arith.constant 0 : i32
    return %arg0, %c0_i32 : i32, i32
  }
  func.func @transform_2(%arg0: i32) -> (i32, i32) {
    %c0_i32 = arith.constant 0 : i32
    %c0_i32_0 = arith.constant 0 : i32
    %c0_i32_1 = arith.constant 0 : i32
    return %c0_i32, %c0_i32_0 : i32, i32
  }
  func.func @transform_3(%arg0: i32) -> (i32, i32) {
    %c0_i32 = arith.constant 0 : i32
    %c0_i32_0 = arith.constant 0 : i32
    %c0_i32_1 = arith.constant 0 : i32
    return %c0_i32, %c0_i32_0 : i32, i32
  }
  func.func @transform_4(%arg0: i32) -> (i32, i32) {
    %c0_i32 = arith.constant 0 : i32
    %c0_i32_0 = arith.constant 0 : i32
    %c0_i32_1 = arith.constant 0 : i32
    return %c0_i32, %c0_i32_0 : i32, i32
  }
  func.func @transform_5(%arg0: i32) -> (i32, i32) {
    %c0_i32 = arith.constant 0 : i32
    %c0_i32_0 = arith.constant 0 : i32
    return %arg0, %c0_i32 : i32, i32
  }
}

module attributes {stable_mosaic.version = 14 : i64} {
  func.func @_head_body(%arg0: memref<2048x256xf32, #tpu.memory_space<vmem>>, %arg1: memref<2048x3xf32, #tpu.memory_space<vmem>>, %arg2: memref<259x256xf32, #tpu.memory_space<vmem>>, %arg3: memref<256x512xf32, #tpu.memory_space<vmem>>, %arg4: memref<512x1024xf32, #tpu.memory_space<vmem>>, %arg5: memref<512x1024xf32, #tpu.memory_space<vmem>>, %arg6: memref<256x512xf32, #tpu.memory_space<vmem>>, %arg7: memref<1x256xf32, #tpu.memory_space<vmem>>, %arg8: memref<16x1xf32, #tpu.memory_space<vmem>>) attributes {dimension_semantics = [], scalar_prefetch = 0 : i64, scratch_operands = 0 : i64, tpu.core_type = #tpu.core_type<tc>} {
    %get3A = arith.constant 0 : index
    %get3A_0 = arith.constant 0 : index
    %get3A_1 = vector.load %arg1[%get3A, %get3A_0] : memref<2048x3xf32, #tpu.memory_space<vmem>>, vector<2048x3xf32>
    %get3A_2 = arith.constant 0 : index
    %get3A_3 = arith.constant 0 : index
    %get3A_4 = vector.load %arg0[%get3A_2, %get3A_3] : memref<2048x256xf32, #tpu.memory_space<vmem>>, vector<2048x256xf32>
    %concatenate3A = tpu.concatenate %get3A_1, %get3A_4 in 1 : vector<2048x3xf32>, vector<2048x256xf32> -> vector<2048x259xf32>
    %get3A_5 = arith.constant 0 : index
    %get3A_6 = arith.constant 0 : index
    %get3A_7 = vector.load %arg2[%get3A_5, %get3A_6] : memref<259x256xf32, #tpu.memory_space<vmem>>, vector<259x256xf32>
    %convert_element_type3A = arith.truncf %concatenate3A : vector<2048x259xf32> to vector<2048x259xbf16>
    %convert_element_type3A_8 = arith.truncf %get3A_7 : vector<259x256xf32> to vector<259x256xbf16>
    %dot_general3A = arith.constant dense<0.000000e+00> : vector<2048x256xf32>
    %dot_general3A_9 = tpu.matmul %convert_element_type3A, %convert_element_type3A_8, %dot_general3A {dimension_numbers = #tpu.dot_dimension_numbers<[1], [0], [0], [1], [0, 0, 1, 1], [], []>, transpose_lhs_hint = false} : vector<2048x259xbf16>, vector<259x256xbf16>, vector<2048x256xf32> -> vector<2048x256xf32>
    %mul3A = arith.constant 0.999994993 : f32
    %mul3A_10 = vector.broadcast %mul3A : f32 to vector<2048x256xf32>
    %mul3A_11 = arith.mulf %dot_general3A_9, %mul3A_10 : vector<2048x256xf32>
    %max3A = arith.constant 0.000000e+00 : f32
    %max3A_12 = vector.broadcast %max3A : f32 to vector<2048x256xf32>
    %max3A_13 = arith.maximumf %mul3A_11, %max3A_12 : vector<2048x256xf32>
    %get3A_14 = arith.constant 0 : index
    %get3A_15 = arith.constant 0 : index
    %get3A_16 = vector.load %arg3[%get3A_14, %get3A_15] : memref<256x512xf32, #tpu.memory_space<vmem>>, vector<256x512xf32>
    %convert_element_type3A_17 = arith.truncf %max3A_13 : vector<2048x256xf32> to vector<2048x256xbf16>
    %convert_element_type3A_18 = arith.truncf %get3A_16 : vector<256x512xf32> to vector<256x512xbf16>
    %dot_general3A_19 = arith.constant dense<0.000000e+00> : vector<2048x512xf32>
    %dot_general3A_20 = tpu.matmul %convert_element_type3A_17, %convert_element_type3A_18, %dot_general3A_19 {dimension_numbers = #tpu.dot_dimension_numbers<[1], [0], [0], [1], [0, 0, 1, 1], [], []>, transpose_lhs_hint = false} : vector<2048x256xbf16>, vector<256x512xbf16>, vector<2048x512xf32> -> vector<2048x512xf32>
    %mul3A_21 = arith.constant 0.999994993 : f32
    %mul3A_22 = vector.broadcast %mul3A_21 : f32 to vector<2048x512xf32>
    %mul3A_23 = arith.mulf %dot_general3A_20, %mul3A_22 : vector<2048x512xf32>
    %max3A_24 = arith.constant 0.000000e+00 : f32
    %max3A_25 = vector.broadcast %max3A_24 : f32 to vector<2048x512xf32>
    %max3A_26 = arith.maximumf %mul3A_23, %max3A_25 : vector<2048x512xf32>
    %get3A_27 = arith.constant 0 : index
    %get3A_28 = arith.constant 0 : index
    %get3A_29 = vector.load %arg4[%get3A_27, %get3A_28] : memref<512x1024xf32, #tpu.memory_space<vmem>>, vector<512x1024xf32>
    %convert_element_type3A_30 = arith.truncf %max3A_26 : vector<2048x512xf32> to vector<2048x512xbf16>
    %convert_element_type3A_31 = arith.truncf %get3A_29 : vector<512x1024xf32> to vector<512x1024xbf16>
    %dot_general3A_32 = arith.constant dense<0.000000e+00> : vector<2048x1024xf32>
    %dot_general3A_33 = tpu.matmul %convert_element_type3A_30, %convert_element_type3A_31, %dot_general3A_32 {dimension_numbers = #tpu.dot_dimension_numbers<[1], [0], [0], [1], [0, 0, 1, 1], [], []>, transpose_lhs_hint = false} : vector<2048x512xbf16>, vector<512x1024xbf16>, vector<2048x1024xf32> -> vector<2048x1024xf32>
    %mul3A_34 = arith.constant 0.999994993 : f32
    %mul3A_35 = vector.broadcast %mul3A_34 : f32 to vector<2048x1024xf32>
    %mul3A_36 = arith.mulf %dot_general3A_33, %mul3A_35 : vector<2048x1024xf32>
    %max3A_37 = arith.constant 0.000000e+00 : f32
    %max3A_38 = vector.broadcast %max3A_37 : f32 to vector<2048x1024xf32>
    %max3A_39 = arith.maximumf %mul3A_36, %max3A_38 : vector<2048x1024xf32>
    %reshape3A = vector.shape_cast %max3A_39 : vector<2048x1024xf32> to vector<16x128x1024xf32>
    %reduce_max3A = arith.constant dense<0xFF800000> : vector<16x1024xf32>
    %reduce_max3A_40 = vector.multi_reduction <maximumf>, %reshape3A, %reduce_max3A [1] : vector<16x128x1024xf32> to vector<16x1024xf32>
    %get3A_41 = arith.constant 0 : index
    %get3A_42 = arith.constant 0 : index
    %get3A_43 = vector.load %arg5[%get3A_41, %get3A_42] : memref<512x1024xf32, #tpu.memory_space<vmem>>, vector<512x1024xf32>
    %convert_element_type3A_44 = arith.truncf %reduce_max3A_40 : vector<16x1024xf32> to vector<16x1024xbf16>
    %convert_element_type3A_45 = arith.truncf %get3A_43 : vector<512x1024xf32> to vector<512x1024xbf16>
    %dot_general3A_46 = arith.constant dense<0.000000e+00> : vector<16x512xf32>
    %dot_general3A_47 = tpu.matmul %convert_element_type3A_44, %convert_element_type3A_45, %dot_general3A_46 {dimension_numbers = #tpu.dot_dimension_numbers<[1], [1], [0], [0], [0, 0, 1, 0], [], []>, transpose_lhs_hint = false} : vector<16x1024xbf16>, vector<512x1024xbf16>, vector<16x512xf32> -> vector<16x512xf32>
    %mul3A_48 = arith.constant 0.999994993 : f32
    %mul3A_49 = vector.broadcast %mul3A_48 : f32 to vector<16x512xf32>
    %mul3A_50 = arith.mulf %dot_general3A_47, %mul3A_49 : vector<16x512xf32>
    %max3A_51 = arith.constant 0.000000e+00 : f32
    %max3A_52 = vector.broadcast %max3A_51 : f32 to vector<16x512xf32>
    %max3A_53 = arith.maximumf %mul3A_50, %max3A_52 : vector<16x512xf32>
    %get3A_54 = arith.constant 0 : index
    %get3A_55 = arith.constant 0 : index
    %get3A_56 = vector.load %arg6[%get3A_54, %get3A_55] : memref<256x512xf32, #tpu.memory_space<vmem>>, vector<256x512xf32>
    %convert_element_type3A_57 = arith.truncf %max3A_53 : vector<16x512xf32> to vector<16x512xbf16>
    %convert_element_type3A_58 = arith.truncf %get3A_56 : vector<256x512xf32> to vector<256x512xbf16>
    %dot_general3A_59 = arith.constant dense<0.000000e+00> : vector<16x256xf32>
    %dot_general3A_60 = tpu.matmul %convert_element_type3A_57, %convert_element_type3A_58, %dot_general3A_59 {dimension_numbers = #tpu.dot_dimension_numbers<[1], [1], [0], [0], [0, 0, 1, 0], [], []>, transpose_lhs_hint = false} : vector<16x512xbf16>, vector<256x512xbf16>, vector<16x256xf32> -> vector<16x256xf32>
    %mul3A_61 = arith.constant 0.999994993 : f32
    %mul3A_62 = vector.broadcast %mul3A_61 : f32 to vector<16x256xf32>
    %mul3A_63 = arith.mulf %dot_general3A_60, %mul3A_62 : vector<16x256xf32>
    %max3A_64 = arith.constant 0.000000e+00 : f32
    %max3A_65 = vector.broadcast %max3A_64 : f32 to vector<16x256xf32>
    %max3A_66 = arith.maximumf %mul3A_63, %max3A_65 : vector<16x256xf32>
    %convert_element_type3A_67 = arith.truncf %max3A_66 : vector<16x256xf32> to vector<16x256xbf16>
    %convert_element_type3A_68 = arith.extf %convert_element_type3A_67 : vector<16x256xbf16> to vector<16x256xf32>
    %get3A_69 = arith.constant 0 : index
    %get3A_70 = arith.constant 0 : index
    %get3A_71 = vector.load %arg7[%get3A_69, %get3A_70] : memref<1x256xf32, #tpu.memory_space<vmem>>, vector<1x256xf32>
    %convert_element_type3A_72 = arith.truncf %get3A_71 : vector<1x256xf32> to vector<1x256xbf16>
    %convert_element_type3A_73 = arith.extf %convert_element_type3A_72 : vector<1x256xbf16> to vector<1x256xf32>
    %mul3A_74 = vector.broadcast %convert_element_type3A_73 : vector<1x256xf32> to vector<16x256xf32>
    %mul3A_75 = arith.mulf %convert_element_type3A_68, %mul3A_74 : vector<16x256xf32>
    %reduce_sum3A = arith.constant dense<0.000000e+00> : vector<16xf32>
    %reduce_sum3A_76 = vector.multi_reduction <add>, %mul3A_75, %reduce_sum3A [1] : vector<16x256xf32> to vector<16xf32>
    %broadcast_in_dim3A = vector.shape_cast %reduce_sum3A_76 : vector<16xf32> to vector<16x1xf32>
    %swap3A = arith.constant 0 : index
    %swap3A_77 = arith.constant 0 : index
    %swap3A_78 = vector.load %arg8[%swap3A, %swap3A_77] : memref<16x1xf32, #tpu.memory_space<vmem>>, vector<16x1xf32>
    tpu.vector_store %arg8[%swap3A, %swap3A_77], %broadcast_in_dim3A {strides = array<i32>} : memref<16x1xf32, #tpu.memory_space<vmem>>, vector<16x1xf32>,
    return
  }
}

</mosaic_0001>

<sc_bundles>
// kernel: kernel.8.cloned.1.call-start
scs
__scs_entry_jumppad:
0x0: {  	(pc) =	sbr.rel $0x88, $3  }
0x1: {  	(tag) =	ssettag $0x0;
	lr =	simm.s32 $0x1  }
0x2: {  	[smem:$0x3F92] =	sst lr;
	_ =	strace $0xD0000000  }
0x3: {  	_ = 	snop  }
0x4: {  	_ = 	snop  }
0x5: {  	_ = 	snop  }
0x6: {  	_ = 	snop  }
0x7: {  	_ = 	snop  }
__scs_overlays_trampoline_lowered:
0x8: {  	[smem:$0x3FA1] =	sst s0  }
0x9: {  	[smem:$0x3FA2] =	sst s1  }
0xa: {  	[smem:$0x3FA3] =	sst s2  }
0xb: {  	[smem:$0x3FA4] =	sst s3  }
0xc: {  	[smem:$0x3FA5] =	sst s4  }
0xd: {  	[smem:$0x3FA6] =	sst s5  }
0xe: {  	[smem:$0x3FA7] =	sst s6  }
0xf: {  	[smem:$0x3FA8] =	sst s7  }
0x10: {  	[smem:$0x3FA9] =	sst s8  }
0x11: {  	[smem:$0x3FAA] =	sst s9;
	s0 =	simm.s32 @!p0 $0x0  }
0x12: {  	s1 =	sld [smem:$0x3F90];
	s0 =	simm.s32 @p0 $0x1  }
0x13: {  	[smem:$0x3FAB] =	sst s0;
	s0 =	simm.s32 @!p1 $0x0  }
0x14: {  	s2 =	sld [smem:$0x3F8F];
	s0 =	simm.s32 @p1 $0x1  }
0x15: {  	[smem:$0x3FAC] =	sst s0;
	s0 =	simm.s32 @!p2 $0x0  }
0x16: {  	s3 =	sld [smem:$0x3FDB];
	s0 =	simm.s32 @p2 $0x1  }
0x17: {  	s4 =	simm.s32 $0x1BF5;
	[smem:$0x3FAE] =	sst s0  }
0x18: {  	s0 =	sld [smem:$0x3F91];
	_ =	swait.ge [sflag:s4], $0x0  }
0x19: {  	s7 =	sld [smem:$0x3F92]  }
0x1a: {  	s8 =	sadd.s32 $0xFFFFE003, lr  }
0x1b: {  	s9 =	sadd.s32 $0xFFFFFEF7, lr;
	s5 =	simm.s32 $0xFFFFFFFF;
	p2 =	slt.u32 s8, $0xFFFFF086  }
0x1c: {  	p1 =	slt.u32 s9, $0xF7A;
	s5 =	simm.s32 @!p2 $0x0  }
0x1d: {  	s5 =	simm.s32 @p1 $0x1;
	p0 =	seq.s32 s7, s2  }
0x1e: {  	s7 =	smul.u32 @!p0 $0xF7A, s2;
	p2 =	seq.s32 @!p0 s5, $0x0  }
0x1f: {  	s9 =	smul.u32 $0xF7A, s1;
	s8 =	simm.s32 @!p0 $0x1BF5;
	p2 =	por !p2, p0  }
0x20: {  	[sflag:s8] =	ssyncset.s32 @!p0 $0xFFFFF086;
	s6 =	sadd.s32 @!p0 s3, s7;
	s7 =	simm.s32 @!p0 $0x108  }
0x21: {  	s3 =	sadd.s32 s3, s9;
	s6 =	sadd.s32 @!p0 $0x88, s6;
	s7 =	simm.s32 @p2 $0x1082  }
0x22: {  	[simem:s7], [sflag:s8] =	dma.local @!p0 [hbm:s6], $0xF7A  }
0x23: {  	s9 =	sor.u32 $0xD0000000, s2;
	s6 =	simm.s32 $0x108;
	_ =	swait.ge @!p0 [sflag:s8], $0x0  }
0x24: {  	s3 =	sadd.s32 $0x88, s3;
	s6 =	simm.s32 @!p1 $0x1082;
	[sflag:s4] =	ssyncset.s32 $0xFFFFF086  }
0x25: {  	[simem:s6], [sflag:s4] =	dma.local [hbm:s3], $0xF7A  }
0x26: {  	[smem:$0x3F92] =	sst s1;
	(tag) =	ssettag s2;
	_ =	strace s9  }
0x27: {  	s1 =	sld [smem:$0x3FA2]  }
0x28: {  	s2 =	sld [smem:$0x3FA3]  }
0x29: {  	s4 =	sld [smem:$0x3FA5]  }
0x2a: {  	p0 =	seq.s32 s5, $0x0;
	s5 =	sld [smem:$0x3FA6]  }
0x2b: {  	s6 =	sld [smem:$0x3FA7]  }
0x2c: {  	s7 =	sld [smem:$0x3FA8]  }
0x2d: {  	s3 =	simm.s32 $0x108;
	s8 =	sld [smem:$0x3FA9]  }
0x2e: {  	s3 =	simm.s32 @!p0 $0x1082;
	s9 =	sld [smem:$0x3FAA]  }
0x2f: {  	lr =	sadd.s32 s0, s3;
	s0 =	sld [smem:$0x3FA1]  }
0x30: {  	s3 =	sld [smem:$0x3FA4]  }
0x31: {  	[smem:$0x3FAD] =	sst s10  }
0x32: {  	s10 =	sld [smem:$0x3FAB];
	_ =	sdelay $0x3  }
0x33: {  	p0 =	seq.s32 s10, $0x1;
	s10 =	sld [smem:$0x3FAD];
	_ =	sdelay $0x3  }
0x34: {  	[smem:$0x3FAD] =	sst s10  }
0x35: {  	s10 =	sld [smem:$0x3FAC];
	_ =	sdelay $0x3  }
0x36: {  	p1 =	seq.s32 s10, $0x1;
	s10 =	sld [smem:$0x3FAD];
	_ =	sdelay $0x3  }
0x37: {  	[smem:$0x3FAD] =	sst s10  }
0x38: {  	s10 =	sld [smem:$0x3FAE]  }
0x39: {  	_ = 	snop;
	(pc) =	sbr.ind lr, $3  }
0x3a: {  	_ = 	snop  }
0x3b: {  	_ = 	snop  }
0x3c: {  	p2 =	seq.s32 s10, $0x1;
	s10 =	sld [smem:$0x3FAD]  }
0x3d: {  	_ =	shalt  }
0x3e: {  	_ =	shalt  }
0x3f: {  	_ =	shalt  }
0x40: {  	_ =	shalt  }
0x41: {  	_ =	shalt  }
0x42: {  	_ =	shalt  }
0x43: {  	_ =	shalt  }
0x44: {  	_ =	shalt  }
0x45: {  	_ =	shalt  }
0x46: {  	_ =	shalt  }
0x47: {  	_ =	shalt  }
0x48: {  	_ =	shalt  }
0x49: {  	_ =	shalt  }
0x4a: {  	_ =	shalt  }
0x4b: {  	_ =	shalt  }
0x4c: {  	_ =	shalt  }
0x4d: {  	_ =	shalt  }
0x4e: {  	_ =	shalt  }
0x4f: {  	_ =	shalt  }
0x50: {  	_ =	shalt  }
0x51: {  	_ =	shalt  }
0x52: {  	_ =	shalt  }
0x53: {  	_ =	shalt  }
0x54: {  	_ =	shalt  }
0x55: {  	_ =	shalt  }
0x56: {  	_ =	shalt  }
0x57: {  	_ =	shalt  }
0x58: {  	_ =	shalt  }
0x59: {  	_ =	shalt  }
0x5a: {  	_ =	shalt  }
0x5b: {  	_ =	shalt  }
0x5c: {  	_ =	shalt  }
0x5d: {  	_ =	shalt  }
0x5e: {  	_ =	shalt  }
0x5f: {  	_ =	shalt  }
0x60: {  	_ =	shalt  }
0x61: {  	_ =	shalt  }
0x62: {  	_ =	shalt  }
0x63: {  	_ =	shalt  }
0x64: {  	_ =	shalt  }
0x65: {  	_ =	shalt  }
0x66: {  	_ =	shalt  }
0x67: {  	_ =	shalt  }
0x68: {  	_ =	shalt  }
0x69: {  	_ =	shalt  }
0x6a: {  	_ =	shalt  }
0x6b: {  	_ =	shalt  }
0x6c: {  	_ =	shalt  }
0x6d: {  	_ =	shalt  }
0x6e: {  	_ =	shalt  }
0x6f: {  	_ =	shalt  }
0x70: {  	_ =	shalt  }
0x71: {  	_ =	shalt  }
0x72: {  	_ =	shalt  }
0x73: {  	_ =	shalt  }
0x74: {  	_ =	shalt  }
0x75: {  	_ =	shalt  }
0x76: {  	_ =	shalt  }
0x77: {  	_ =	shalt  }
0x78: {  	_ =	shalt  }
0x79: {  	_ =	shalt  }
0x7a: {  	_ =	shalt  }
0x7b: {  	_ =	shalt  }
0x7c: {  	_ =	shalt  }
0x7d: {  	_ =	shalt  }
0x7e: {  	_ =	shalt  }
0x7f: {  	_ =	shalt  }
0x80: {  	_ =	shalt  }
0x81: {  	_ =	shalt  }
0x82: {  	_ =	shalt  }
0x83: {  	_ =	shalt  }
0x84: {  	_ =	shalt  }
0x85: {  	_ =	shalt  }
0x86: {  	_ =	shalt  }
0x87: {  	_ =	shalt  }
.Lfunc_end0:
.L_simem_size_0:
called_computation_lowered:
.L_overlay_start_0:
0x88: {  	s2 =	sld [smem:$0x3FD9]  }
0x89: {  	s3 =	sld [smem:$0x3FFE];
	_ =	sdelay $0x1  }
0x8a: {  	s1 =	srdreg.scid  }
0x8b: {  	s0 =	sand.u32 $0x1, s1  }
0x8c: {  	s16 =	sshll.u32 s0, $0xA;
	s2 =	sadd.s32 s3, s2  }
0x8d: {  	s2 =	sadd.s32 s2, s16  }
0x8e: {  	[smem:$0x3FB9] =	sst s2  }
0x8f: {  	_ = 	snop  }
0x90: {  	(tm) =	ssettm $0x1  }
0x91: {  	s17 =	sld [smem:$0x3FFB];
	_ =	sdelay $0x3  }
0x92: {  	_ =	strace s17  }
0x93: {  	s2 =	sld [smem:$0x3FFC];
	_ =	sdelay $0x3  }
0x94: {  	_ =	strace s2  }
0x95: {  	s2 =	sld [smem:$0x3FFD];
	_ =	sdelay $0x3  }
0x96: {  	_ =	strace s2  }
0x97: {  	_ =	strace $0x8FFFFFFF  }
0x98: {  	s18 =	sld [smem:$0x3FDB];
	_ =	sdelay $0x1  }
0x99: {  	s19 =	simm.s32 $_scs_section_size  }
0x9a: {  	s4 =	simm.s32 $_size__tile_overlayer_lowered;
	s5 =	simm.s32 $_tile_overlayer_lowered  }
0x9b: {  	s22 =	simm.s32 $0x1BFF;
	s21 =	sshll.u32 s5, $0x1;
	s2 =	sadd.s32 s19, s18  }
0x9c: {  	s6 =	simm.s32 $0x0;
	s20 =	sshll.u32 s4, $0x1;
	s4 =	sadd.s32 s21, s2  }
0x9d: {  	[timem:s6], [sflag:s22] =	dma.local [hbm:s4], s20  }
0x9e: {  	_ =	swait.ge [sflag:s22], s20  }
0x9f: {  	s3 =	ssub.s32 $0x0, s20;
	[sflag:s22] =	ssyncset.done $0x0  }
0xa0: {  	[sflag:s22] =	ssyncadd.s32 s3;
	_ =	sdelay $0x1  }
0xa1: {  	s23 =	simm.s32 $0x1B8B  }
0xa2: {  	_ =	swait.ge [sflag:s23], $0x1  }
0xa3: {  	[sflag:s23] =	ssyncset.done $0x0  }
0xa4: {  	s25 =	simm.s32 $0x1B8E;
	s24 =	sld [smem:$0x3FFE];
	[sflag:s23] =	ssyncadd.s32 $0xFFFFFFFF  }
0xa5: {  	s26 =	simm.s32 $execute0_lowered;
	[smem:$0x3FD2] =	sst s25  }
0xa6: {  	s4 =	sshll.u32 s26, $0x1;
	_ =	strace $0x80000046;
	[dreg:$0x1] =	wrdreg $0xFFFFFFFF  }
0xa7: {  	s28 =	simm.s32 $_size_execute0_lowered;
	s2 =	sadd.s32 s2, s4;
	[dreg:$0x0] =	wrdreg $0x0  }
0xa8: {  	s4 =	sshll.u32 s28, $0x1;
	[dreg:$0x2] =	wrdreg s2  }
0xa9: {  	[dreg:$0x3] =	wrdreg s4  }
0xaa: {  	[dreg:$0x4] =	wrdreg $0xC0  }
0xab: {  	_ =	task [dreg:s6], $0x5FFFF  }
0xac: {  	[dreg:$0x1] =	wrdreg $0xFFFFFFFF  }
0xad: {  	[dreg:$0x0] =	wrdreg $0x60  }
0xae: {  	[dreg:$0x2] =	wrdreg s24  }
0xaf: {  	[dreg:$0x3] =	wrdreg $0x9  }
0xb0: {  	_ =	task.clear_ibuf [dreg:s6], $0x4FFFF;
	_ =	strace $0x90000046  }
0xb1: {  	s29 =	simm.s32 $0x9;
	_ =	strace $0x80000048  }
0xb2: {  	_ =	swait.ge [sflag:s29], $0x1  }
0xb3: {  	[sflag:s29] =	ssyncadd.s32 $0xFFFFFFFF  }
0xb4: {  	_ =	strace $0x90000048  }
0xb5: {  	_ =	sfence  }
0xb6: {  	s30 =	sld [smem:$0x0];
	_ =	sdelay $0x2  }
0xb7: {  	s31 =	sshll.u32 s1, $0xD;
	s1 =	sshrl.u32 s1, $0x2  }
0xb8: {  	s3 =	sand.u32 $0x4000, s31;
	s1 =	sadd.s32 s1, s30  }
0xb9: {  	s0 =	sor.u32 s3, s0;
	s1 =	sshll.u32 s1, $0x11  }
0xba: {  	s0 =	sor.u32 s1, s0  }
0xbb: {  	s0 =	sadd.s32 $0x8F2B, s0  }
0xbc: {  	[sflag:s0] =	ssyncadd.remote.s32 $0x1  }
0xbd: {  	_ =	sfence.sel $0xFFFF  }
0xbe: {  	[dreg:$0x0] =	wrdreg $0xFFFFFFFF;
	(pc) =	sbr.abs _section_cstart, $3  }
0xbf: {  	[dreg:$0x1] =	wrdreg $0xFFFFFFFF  }
0xc0: {  	_ =	task.clear_ibuf [dreg:s6], $0x2FFFF;
	_ =	strace $0x9FFFFFFF  }
0xc1: {  	(tm) =	ssettm $0x7FFFFFFF  }
tec
execute0_lowered:
.L_overlay_start_1:
0x0: {  	(tag) =	ssettag $0x1  }
0x1: {  	s4 =	rddreg [dreg:$0x0]  }
0x2: {  	s0 =	rddreg [dreg:$0x1];
	s2 =	simm.s32 $0x0;
	s3 =	srdreg.scid  }
0x3: {  	s1 =	stileid.u32;
	s10 =	simm.s32 $0x5000;
	s11 =	simm.s32 $0x9000  }
0x4: {  	s12 =	simm.s32 $0xD000;
	s13 =	simm.s32 $0x1;
	s14 =	simm.s32 $0x0  }
0x5: {  	[smem:$0x7FF] =	sst s2;
	s5 =	sand.u32 $0x1, s3;
	s6 =	sshll.u32 s1, $0xA  }
0x6: {  	s3 =	sadd.s32 $0x6400, s4;
	s8 =	sshll.u32 s1, $0x11;
	_ =	strace $0x80000047  }
0x7: {  	s7 =	sshll.u32 s5, $0x9;
	s29 =	ssub.s32 $0x2, s5;
	s8 =	sadd.s32 s8, s4  }
0x8: {  	s30 =	sshll.u32 s5, $0x10;
	s6 =	sor.u32 s7, s6;
	s9 =	sshrl.u32 s29, $0x1  }
0x9: {  	s31 =	sadd.s32 s30, s8;
	s8 =	simm.s32 $0x80;
	s6 =	sadd.s32 s6, s4  }
0xa: {  	s7 =	ssub.s32 s29, s9;
	s9 =	simm.s32 $0x1000;
	s4 =	sadd.s32 $0x2400, s6  }
0xb: {  	s5 =	smax.u32 s7, $0x1;
	s6 =	sadd.s32 $0x86400, s31;
	s7 =	simm.s32 $0x2  }
.LBB2_1:
0xc: {  	[tilespmem:s2], [sflag:$0x2] =	stream.linear.gather [hbm4b:s4+s2], $0x1000, $0x38;
	[tilespmem:$0x11000] =	vst v63  }
0xd: {  	_ =	swait.ge [sflag:s7], $0x1000  }
0xe: {  	[sflag:s7] =	ssyncset.done $0x0  }
0xf: {  	s15 =	simm.s32 $0x0;
	[sflag:s7] =	ssyncadd.s32 $0xFFFFF000  }
0x10: {  	[tilespmem:s9], [sflag:$0x1] =	stream.indirect.gather [hbm4b:s3+s8], $0x80, s15, s8, $0xb8;
	[tilespmem:$0x11000] =	vst v63  }
0x11: {  	s28 =	simm.s32 $0x80  }
0x12: {  	[tilespmem:s10], [sflag:$0x1] =	stream.indirect.gather [hbm4b:s3+s8], $0x80, s28, s8, $0xb8;
	[tilespmem:$0x11000] =	vst v63  }
0x13: {  	s29 =	simm.s32 $0x100  }
0x14: {  	[tilespmem:s11], [sflag:$0x1] =	stream.indirect.gather [hbm4b:s3+s8], $0x80, s29, s8, $0xb8;
	[tilespmem:$0x11000] =	vst v63  }
0x15: {  	s30 =	simm.s32 $0x180  }
0x16: {  	[tilespmem:s12], [sflag:$0x1] =	stream.indirect.gather [hbm4b:s3+s8], $0x80, s30, s8, $0xb8;
	[tilespmem:$0x11000] =	vst v63  }
0x17: {  	_ =	swait.ge [sflag:s13], $0x4000  }
0x18: {  	[sflag:s13] =	ssyncset.done $0x0  }
0x19: {  	[sflag:s13] =	ssyncadd.s32 $0xFFFFC000  }
0x1a: {  	_ =	swait.ge [sflag:s13], $0x4000  }
0x1b: {  	[sflag:s13] =	ssyncset.done $0x0  }
0x1c: {  	[sflag:s13] =	ssyncadd.s32 $0xFFFFC000  }
0x1d: {  	_ =	swait.ge [sflag:s13], $0x4000  }
0x1e: {  	[sflag:s13] =	ssyncset.done $0x0  }
0x1f: {  	[sflag:s13] =	ssyncadd.s32 $0xFFFFC000  }
0x20: {  	_ =	swait.ge [sflag:s13], $0x4000  }
0x21: {  	[sflag:s13] =	ssyncset.done $0x0  }
0x22: {  	s31 =	sadd.s32 $0x0, s6;
	[sflag:s13] =	ssyncadd.s32 $0xFFFFC000  }
0x23: {  	[hbm4b:s31+s2] =	stream.linear.scatter [tilespmem:s9], [sflag:$0x2], $0x10000, $0x38;
	[tilespmem:$0x11000] =	vst v63  }
0x24: {  	s17 =	simm.s32 $0x4000;
	_ =	swait.ge [sflag:s7], $0x10000  }
0x25: {  	s16 =	simm.s32 $0x380;
	s15 =	simm.s32 $0x2000;
	[sflag:s7] =	ssyncset.done $0x0  }
.LBB2_2:
0x26: {  	p0 =	sne.s32 s17, $0xE000;
	s18 =	sadd.s32 $0xFFFFFE80, s16;
	[sflag:s7] =	ssyncadd.s32 $0xFFFF0000  }
0x27: {  	[tilespmem:s9], [sflag:$0x1] =	stream.indirect.gather [hbm4b:s3+s8], $0x80, s18, s8, $0xb8;
	[tilespmem:$0x11000] =	vst v63  }
0x28: {  	s19 =	smov.u32 s17;
	s17 =	sadd.s32 $0x2000, s17;
	s18 =	sadd.s32 $0xFFFFFF00, s16  }
0x29: {  	[tilespmem:s10], [sflag:$0x1] =	stream.indirect.gather [hbm4b:s3+s8], $0x80, s18, s8, $0xb8;
	[tilespmem:$0x11000] =	vst v63  }
0x2a: {  	s18 =	sadd.s32 $0xFFFFFF80, s16  }
0x2b: {  	[tilespmem:s11], [sflag:$0x1] =	stream.indirect.gather [hbm4b:s3+s8], $0x80, s18, s8, $0xb8;
	[tilespmem:$0x11000] =	vst v63  }
0x2c: {  	_ = 	snop  }
0x2d: {  	[tilespmem:s12], [sflag:$0x1] =	stream.indirect.gather [hbm4b:s3+s8], $0x80, s16, s8, $0xb8;
	[tilespmem:$0x11000] =	vst v63  }
0x2e: {  	_ =	swait.ge [sflag:s13], $0x4000  }
0x2f: {  	[sflag:s13] =	ssyncset.done $0x0  }
0x30: {  	[sflag:s13] =	ssyncadd.s32 $0xFFFFC000  }
0x31: {  	_ =	swait.ge [sflag:s13], $0x4000  }
0x32: {  	[sflag:s13] =	ssyncset.done $0x0  }
0x33: {  	[sflag:s13] =	ssyncadd.s32 $0xFFFFC000  }
0x34: {  	_ =	swait.ge [sflag:s13], $0x4000  }
0x35: {  	[sflag:s13] =	ssyncset.done $0x0  }
0x36: {  	[sflag:s13] =	ssyncadd.s32 $0xFFFFC000  }
0x37: {  	_ =	swait.ge [sflag:s13], $0x4000  }
.Ltmp0:
0x38: {  	[sflag:s13] =	ssyncset.done $0x0;
	(pc) =	sbr.rel @p0 .LBB2_2-.Ltmp0, $4  }
0x39: {  	s18 =	sadd.s32 s15, s6;
	s15 =	smov.u32 s19;
	[sflag:s13] =	ssyncadd.s32 $0xFFFFC000  }
0x3a: {  	[hbm4b:s18+s2] =	stream.linear.scatter [tilespmem:s9], [sflag:$0x2], $0x10000, $0x38;
	[tilespmem:$0x11000] =	vst v63  }
0x3b: {  	_ =	swait.ge [sflag:s7], $0x10000  }
0x3c: {  	s16 =	sadd.s32 $0x200, s16;
	[sflag:s7] =	ssyncset.done $0x0  }
0x3d: {  	s17 =	sadd.s32 $0xFFFFFE80, s16;
	[sflag:s7] =	ssyncadd.s32 $0xFFFF0000  }
0x3e: {  	[tilespmem:s9], [sflag:$0x1] =	stream.indirect.gather [hbm4b:s3+s8], $0x80, s17, s8, $0xb8;
	[tilespmem:$0x11000] =	vst v63  }
0x3f: {  	s30 =	sadd.s32 $0xFFFFFF00, s16  }
0x40: {  	[tilespmem:s10], [sflag:$0x1] =	stream.indirect.gather [hbm4b:s3+s8], $0x80, s30, s8, $0xb8;
	[tilespmem:$0x11000] =	vst v63  }
0x41: {  	s31 =	sadd.s32 $0xFFFFFF80, s16  }
0x42: {  	[tilespmem:s11], [sflag:$0x1] =	stream.indirect.gather [hbm4b:s3+s8], $0x80, s31, s8, $0xb8;
	[tilespmem:$0x11000] =	vst v63  }
0x43: {  	_ = 	snop  }
0x44: {  	[tilespmem:s12], [sflag:$0x1] =	stream.indirect.gather [hbm4b:s3+s8], $0x80, s16, s8, $0xb8;
	[tilespmem:$0x11000] =	vst v63  }
0x45: {  	_ =	swait.ge [sflag:s13], $0x4000  }
0x46: {  	[sflag:s13] =	ssyncset.done $0x0  }
0x47: {  	[sflag:s13] =	ssyncadd.s32 $0xFFFFC000  }
0x48: {  	_ =	swait.ge [sflag:s13], $0x4000  }
0x49: {  	[sflag:s13] =	ssyncset.done $0x0  }
0x4a: {  	[sflag:s13] =	ssyncadd.s32 $0xFFFFC000  }
0x4b: {  	_ =	swait.ge [sflag:s13], $0x4000  }
0x4c: {  	[sflag:s13] =	ssyncset.done $0x0  }
0x4d: {  	[sflag:s13] =	ssyncadd.s32 $0xFFFFC000  }
0x4e: {  	s14 =	sadd.s32 $0x1, s14;
	_ =	swait.ge [sflag:s13], $0x4000  }
0x4f: {  	p0 =	sne.s32 s14, s5;
	[sflag:s13] =	ssyncset.done $0x0  }
.Ltmp1:
0x50: {  	s15 =	sadd.s32 s15, s6;
	[sflag:s13] =	ssyncadd.s32 $0xFFFFC000;
	(pc) =	sbr.rel @p0 .LBB2_1-.Ltmp1, $4  }
0x51: {  	[hbm4b:s15+s2] =	stream.linear.scatter [tilespmem:s9], [sflag:$0x2], $0x10000, $0x38;
	[tilespmem:$0x11000] =	vst v63  }
0x52: {  	_ =	swait.ge [sflag:s7], $0x10000  }
0x53: {  	[sflag:s7] =	ssyncset.done $0x0  }
0x54: {  	[sflag:s7] =	ssyncadd.s32 $0xFFFF0000  }
0x55: {  	_ =	sfence.sel $0x180000  }
0x56: {  	[bflag:$0x0] =	sbarrier.arrive $0xFFFF  }
0x57: {  	p0 =	sne.s32 s1, $0x0;
	_ =	strace $0x90000047  }
0x58: {  	s0 =	sadd.s32 @!p0 $0x100000, s0;
	[bflag:$0x2] =	sbarrier.arrive $0xFFFF  }
0x59: {  	[sflag:s0] =	ssyncadd.tile.s32 @!p0 $0x1;
	_ =	shalt  }
.Lfunc_end2:
_tile_overlayer_lowered:
.L_overlay_start_2:
0x5a: {  	(tag) =	ssettag $0x2  }
0x5b: {  	s0 =	rddreg [dreg:$0x0];
	s2 =	stileid.u32  }
0x5c: {  	s1 =	rddreg [dreg:$0x1];
	p0 =	sne.s32 s2, $0x0  }
0x5d: {  	s3 =	rddreg [dreg:$0x2];
	[bflag:$0x3] =	sbarrier.arrive $0xFFFF;
	s2 =	simm.s32 @!p0 $0x1C02  }
0x5e: {  	[timem:s3], [sflag:s2] =	dma.local @!p0 [hbm:s0], s1  }
0x5f: {  	s0 =	simm.s32 @!p0 $0x2  }
0x60: {  	_ =	swait.ge @!p0 [sflag:s0], s1  }
0x61: {  	s1 =	ssub.s32 @!p0 $0x0, s1;
	[sflag:s0] =	ssyncset.done @!p0 $0x0  }
0x62: {  	[sflag:s0] =	ssyncadd.s32 @!p0 s1  }
0x63: {  	[bflag:$0x3] =	sbarrier.arrive $0xFFFF  }
0x64: {  	_ =	shalt  }

</sc_bundles>
